<compile_context>
chip_gen: v7x
topology: tpu7x:2x2x1
jax: 0.10.2.dev20260603
libtpu: 0.0.44.dev20260713+nightly
codegen_flags: <defaults>
</compile_context>

<pallas_src>
import jax
import jax.numpy as jnp
from jax import lax
from jax.experimental import pallas as pl
from jax.experimental.pallas import tpu as pltpu, tpu_sc as plsc

_B, _C, _H, _W = 4, 9, 512, 512
_D = 16
_GRID_N = _D * _D * _D
_NPIX = _H * _W
_NC, _NS = 2, 16
_NW = _NC * _NS
_PPW = _B * _NPIX // _NW
_CH = 8192
_L = 16


def _proj_body(w_ref, g_ref, r_ref, o_ref):
    o_ref[...] = lax.dot_general(
        w_ref[...], g_ref[...], (((1,), (0,)), ((), ())),
        precision=lax.Precision.HIGHEST,
        preferred_element_type=jnp.float32) + r_ref[...]


def _sc_body(proj_hbm, guide_hbm, out_hbm,
             p0, p1, p2, gr0, gg0, gb0, gr1, gg1, gb1,
             or0, og0, ob0, or1, og1, ob1, sin0, sin1, sout0, sout1):
    wid = lax.axis_index("s") * _NC + lax.axis_index("c")
    wpb = _NW // _B
    batch = wid // wpb
    slot = wid % wpb

    for o, pref in enumerate((p0, p1, p2)):
        pltpu.sync_copy(
            proj_hbm.at[pl.ds((o * _B + batch) * _GRID_N, _GRID_N)],
            pref)

    gins = ((gr0, gg0, gb0), (gr1, gg1, gb1))
    obufs = ((or0, og0, ob0), (or1, og1, ob1))
    sins, souts = (sin0, sin1), (sout0, sout1)
    nchunks = _PPW // _CH

    def start_in(ci):
        base = slot * _PPW + ci * _CH
        return [pltpu.async_copy(
            guide_hbm.at[pl.ds((batch * 3 + k) * _NPIX + base, _CH)],
            gins[ci % 2][k], sins[ci % 2]) for k in range(3)]

    def start_out(ci):
        base = slot * _PPW + ci * _CH
        return [pltpu.async_copy(
            obufs[ci % 2][k],
            out_hbm.at[pl.ds((batch * 3 + k) * _NPIX + base, _CH)],
            souts[ci % 2]) for k in range(3)]

    h_in = {0: start_in(0)}
    h_out = {}
    for ci in range(nchunks):
        if ci + 1 < nchunks:
            h_in[ci + 1] = start_in(ci + 1)
        for h in h_in.pop(ci):
            h.wait()
        if ci >= 2:
            for h in h_out.pop(ci - 2):
                h.wait()
        gbuf = gins[ci % 2]
        obuf = obufs[ci % 2]

        def vbody(v, carry):
            s = v * _L
            rv = gbuf[0][pl.ds(s, _L)]
            gv = gbuf[1][pl.ds(s, _L)]
            bv = gbuf[2][pl.ds(s, _L)]

            def prep(x):
                xc = x * (_D - 1.0)
                i0 = xc.astype(jnp.int32)
                f = xc - i0.astype(jnp.float32)
                return i0, i0 + 1, f

            r0, r1, fr = prep(rv)
            g0, g1, fg = prep(gv)
            b0, b1, fb = prep(bv)

            rA = r0 * 256
            rB = r1 * 256
            gA = g0 * 16
            gB = g1 * 16
            e00 = rA + gA
            e01 = rA + gB
            e10 = rB + gA
            e11 = rB + gB
            addr = (e00 + b0, e00 + b1, e01 + b0, e01 + b1,
                    e10 + b0, e10 + b1, e11 + b0, e11 + b1)

            frm = 1.0 - fr
            fgm = 1.0 - fg
            fbm = 1.0 - fb
            w00 = frm * fgm
            w01 = frm * fg
            w10 = fr * fgm
            w11 = fr * fg
            wt = (w00 * fbm, w00 * fb, w01 * fbm, w01 * fb,
                  w10 * fbm, w10 * fb, w11 * fbm, w11 * fb)

            for o, pref in enumerate((p0, p1, p2)):
                acc = plsc.load_gather(pref, [addr[0]]) * wt[0]
                for kk in range(1, 8):
                    acc = acc + plsc.load_gather(pref, [addr[kk]]) * wt[kk]
                obuf[o][pl.ds(s, _L)] = acc
            return carry

        lax.fori_loop(0, _CH // _L, vbody, None)

        h_out[ci] = start_out(ci)

    for ci in (nchunks - 2, nchunks - 1):
        for h in h_out.pop(ci):
            h.wait()


def kernel(bilateral_grid, guidemap, conv_w, conv_b):
    grid_t = (bilateral_grid.reshape(_B, _C, _GRID_N)
              .transpose(1, 0, 2).reshape(_C, _B * _GRID_N))
    grid_tp = jnp.pad(grid_t, ((0, 16 - _C), (0, 0)))
    w9p = jnp.pad(conv_w[:, :_C], ((0, 5), (0, 16 - _C)))

    cell = jnp.arange(_GRID_N, dtype=jnp.float32)
    coords = jnp.stack([jnp.floor_divide(cell, 256.0) % 16.0,
                        jnp.floor_divide(cell, 16.0) % 16.0,
                        cell % 16.0]) / (_D - 1.0)
    ramp = conv_w[:, _C:] @ coords + conv_b[:, None]
    ramp = jnp.pad(ramp, ((0, 5), (0, 0)))
    ramp = jnp.tile(ramp, (1, _B))

    proj = pl.pallas_call(
        _proj_body,
        out_shape=jax.ShapeDtypeStruct((8, _B * _GRID_N), jnp.float32),
    )(w9p, grid_tp, ramp)
    proj_flat = proj.reshape(-1)

    guide_flat = guidemap.reshape(-1)

    mesh = plsc.VectorSubcoreMesh(core_axis_name="c", subcore_axis_name="s",
                                  num_cores=_NC, num_subcores=_NS)
    scratch = ([pltpu.VMEM((_GRID_N,), jnp.float32) for _ in range(3)]
               + [pltpu.VMEM((_CH,), jnp.float32) for _ in range(12)]
               + [pltpu.SemaphoreType.DMA for _ in range(4)])
    out = pl.kernel(
        _sc_body,
        out_type=jax.ShapeDtypeStruct((_B * 3 * _NPIX,), jnp.float32),
        mesh=mesh,
        scratch_types=scratch,
        compiler_params=pltpu.CompilerParams(needs_layout_passes=False),
    )(proj_flat, guide_flat)
    return out.reshape(_B, 3, _H, _W)

# --- scband reference (transcript-rebuilt; emitter-appended) ---
"""Pipeline reference for scband-slice-2362232013449 (READ-ONLY COPY).

The authoritative reference and input builder live on the scoring server;
editing this copy changes nothing except your own understanding.
"""

import jax, jax.numpy as jnp
import numpy as np


def setup_inputs(seed: int = 0) -> dict:
    key = jax.random.key(seed)
    k1, k2, k3, k4 = jax.random.split(key, 4)
    bilateral_grid = jax.random.normal(k1, (4, 9, 16, 16, 16), dtype=jnp.float32)
    guidemap = jax.random.uniform(k2, (4, 3, 512, 512), dtype=jnp.float32)
    # conv_1d: nn.Conv2d(n_inchannel + 3, 3, kernel_size=1) -> weight [3, 12], bias [3]
    conv_w = jax.random.normal(k3, (3, 12), dtype=jnp.float32) * 0.1
    conv_b = jax.random.normal(k4, (3,), dtype=jnp.float32) * 0.1
    return {"bilateral_grid": bilateral_grid, "guidemap": guidemap, "conv_w": conv_w, "conv_b": conv_b}


def _trilinear_slice(grid, guide):
    # grid: [B, C, D, D, D]; guide: [B, 3, H, W] in [0, 1]
    Dd = grid.shape[2]
    g = jnp.clip(guide, 0.0, 1.0) * (Dd - 1)
    r = g[:, 0]
    gg = g[:, 1]
    bb = g[:, 2]
    r0 = jnp.floor(r)
    g0 = jnp.floor(gg)
    b0 = jnp.floor(bb)
    fr = r - r0
    fg = gg - g0
    fb = bb - b0
    r0i = r0.astype(jnp.int32)
    g0i = g0.astype(jnp.int32)
    b0i = b0.astype(jnp.int32)
    r1i = jnp.minimum(r0i + 1, Dd - 1)
    g1i = jnp.minimum(g0i + 1, Dd - 1)
    b1i = jnp.minimum(b0i + 1, Dd - 1)

    def per_batch(gb, r0i, r1i, g0i, g1i, b0i, b1i, fr, fg, fb):
        def gat(a, b, c):
            return gb[:, a, b, c]  # [C, H, W]
        c000 = gat(r0i, g0i, b0i)
        c001 = gat(r0i, g0i, b1i)
        c010 = gat(r0i, g1i, b0i)
        c011 = gat(r0i, g1i, b1i)
        c100 = gat(r1i, g0i, b0i)
        c101 = gat(r1i, g0i, b1i)
        c110 = gat(r1i, g1i, b0i)
        c111 = gat(r1i, g1i, b1i)
        fr_ = fr[None]
        fg_ = fg[None]
        fb_ = fb[None]
        c00 = c000 * (1 - fb_) + c001 * fb_
        c01 = c010 * (1 - fb_) + c011 * fb_
        c10 = c100 * (1 - fb_) + c101 * fb_
        c11 = c110 * (1 - fb_) + c111 * fb_
        c0 = c00 * (1 - fg_) + c01 * fg_
        c1 = c10 * (1 - fg_) + c11 * fg_
        return c0 * (1 - fr_) + c1 * fr_  # [C, H, W]

    return jax.vmap(per_batch)(grid, r0i, r1i, g0i, g1i, b0i, b1i, fr, fg, fb)


def reference(bilateral_grid, guidemap, conv_w, conv_b):
    res = _trilinear_slice(bilateral_grid, guidemap)        # [B, 9, H, W]
    res = jnp.concatenate([res, guidemap], axis=1)           # [B, 12, H, W]
    out = jnp.einsum('bchw,oc->bohw', res, conv_w) + conv_b[None, :, None, None]
    return out

if __name__ == "__main__":
    import jax
    _d = setup_inputs()
    print(jax.jit(kernel)(*tuple(_d.values())))

</pallas_src>

<mosaic_0001>
#map = affine_map<(d0, d1) -> (0)>
module attributes {stable_mosaic.version = 14 : i64} {
  func.func @_sc_body(%arg0: i32, %arg1: i32, %arg2: memref<131072xf32, #tpu.memory_space<hbm>>, %arg3: memref<3145728xf32, #tpu.memory_space<hbm>>, %arg4: memref<3145728xf32, #tpu.memory_space<hbm>>, %arg5: memref<4096xf32, #tpu.memory_space<vmem>>, %arg6: memref<4096xf32, #tpu.memory_space<vmem>>, %arg7: memref<4096xf32, #tpu.memory_space<vmem>>, %arg8: memref<8192xf32, #tpu.memory_space<vmem>>, %arg9: memref<8192xf32, #tpu.memory_space<vmem>>, %arg10: memref<8192xf32, #tpu.memory_space<vmem>>, %arg11: memref<8192xf32, #tpu.memory_space<vmem>>, %arg12: memref<8192xf32, #tpu.memory_space<vmem>>, %arg13: memref<8192xf32, #tpu.memory_space<vmem>>, %arg14: memref<8192xf32, #tpu.memory_space<vmem>>, %arg15: memref<8192xf32, #tpu.memory_space<vmem>>, %arg16: memref<8192xf32, #tpu.memory_space<vmem>>, %arg17: memref<8192xf32, #tpu.memory_space<vmem>>, %arg18: memref<8192xf32, #tpu.memory_space<vmem>>, %arg19: memref<8192xf32, #tpu.memory_space<vmem>>, %arg20: memref<!tpu.dma_semaphore, #tpu.memory_space<semaphore_mem>>, %arg21: memref<!tpu.dma_semaphore, #tpu.memory_space<semaphore_mem>>, %arg22: memref<!tpu.dma_semaphore, #tpu.memory_space<semaphore_mem>>, %arg23: memref<!tpu.dma_semaphore, #tpu.memory_space<semaphore_mem>>) attributes {dimension_semantics = [#tpu.dimension_semantics<core_parallel>, #tpu.dimension_semantics<subcore_parallel>], iteration_bounds = array<i64: 2, 16>, scalar_prefetch = 0 : i64, scratch_operands = 19 : i64, tpu.core_type = #tpu.core_type<sc_vector_subcore>, window_params = [{transform_indices = #map}, {transform_indices = #map}, {transform_indices = #map}]} {
    %mul3A = arith.constant 2 : i32
    %mul3A_0 = arith.muli %arg1, %mul3A : i32
    %add3A = arith.addi %mul3A_0, %arg0 : i32
    %jit3A = arith.constant 8 : i32
    %div3A = arith.divsi %add3A, %jit3A : i32
    %sign3A = arith.constant 0 : i32
    %sign3A_1 = arith.cmpi sgt, %add3A, %sign3A : i32
    %sign3A_2 = arith.extui %sign3A_1 : i1 to i32
    %sign3A_3 = arith.constant 0 : i32
    %sign3A_4 = arith.cmpi slt, %add3A, %sign3A_3 : i32
    %sign3A_5 = arith.extui %sign3A_4 : i1 to i32
    %sign3A_6 = arith.subi %sign3A_2, %sign3A_5 : i32
    %sign3A_7 = arith.constant 0 : i32
    %sign3A_8 = arith.cmpi sgt, %jit3A, %sign3A_7 : i32
    %sign3A_9 = arith.extui %sign3A_8 : i1 to i32
    %sign3A_10 = arith.constant 0 : i32
    %sign3A_11 = arith.cmpi slt, %jit3A, %sign3A_10 : i32
    %sign3A_12 = arith.extui %sign3A_11 : i1 to i32
    %sign3A_13 = arith.subi %sign3A_9, %sign3A_12 : i32
    %ne3A = arith.cmpi ne, %sign3A_6, %sign3A_13 : i32
    %rem3A = arith.remsi %add3A, %jit3A : i32
    %ne3A_14 = arith.constant 0 : i32
    %ne3A_15 = arith.cmpi ne, %rem3A, %ne3A_14 : i32
    %and3A = arith.andi %ne3A, %ne3A_15 : i1
    %sub3A = arith.constant 1 : i32
    %sub3A_16 = arith.subi %div3A, %sub3A : i32
    %select_n3A = arith.select %and3A, %sub3A_16, %div3A : i32
    %jit3A_17 = arith.constant 8 : i32
    %eq3A = arith.constant 0 : i32
    %eq3A_18 = arith.cmpi eq, %jit3A_17, %eq3A : i32
    %jit3A_19 = arith.constant 1 : i32
    %select_n3A_20 = arith.select %eq3A_18, %jit3A_19, %jit3A_17 : i32
    %rem3A_21 = arith.remsi %add3A, %select_n3A_20 : i32
    %ne3A_22 = arith.constant 0 : i32
    %ne3A_23 = arith.cmpi ne, %rem3A_21, %ne3A_22 : i32
    %lt3A = arith.constant 0 : i32
    %lt3A_24 = arith.cmpi slt, %rem3A_21, %lt3A : i32
    %lt3A_25 = arith.constant 0 : i32
    %lt3A_26 = arith.cmpi slt, %select_n3A_20, %lt3A_25 : i32
    %ne3A_27 = arith.xori %lt3A_24, %lt3A_26 : i1
    %and3A_28 = arith.andi %ne3A_27, %ne3A_23 : i1
    %add3A_29 = arith.addi %rem3A_21, %select_n3A_20 : i32
    %select_n3A_30 = arith.select %and3A_28, %add3A_29, %rem3A_21 : i32
    %add3A_31 = arith.constant 0 : i32
    %add3A_32 = arith.addi %add3A_31, %select_n3A : i32
    %mul3A_33 = arith.constant 4096 : i32
    %mul3A_34 = arith.muli %add3A_32, %mul3A_33 : i32
    "tpu.region"() ({
      %run_scoped3A = tpu.sem_alloc : memref<!tpu.dma_semaphore, #tpu.memory_space<semaphore_mem>>
      %dma_start3A_356 = tpu.memref_slice %arg2[%mul3A_34] : memref<131072xf32, #tpu.memory_space<hbm>> -> memref<4096xf32, #tpu.memory_space<hbm>>
      %dma_start3A_357 = tpu.memref_slice %arg2[%mul3A_34] : memref<131072xf32, #tpu.memory_space<hbm>> -> memref<4096xf32, #tpu.memory_space<hbm>>
      tpu.enqueue_dma source(%dma_start3A_357 : memref<4096xf32, #tpu.memory_space<hbm>>) target(%arg5 : memref<4096xf32, #tpu.memory_space<vmem>>) target_semaphore(%run_scoped3A : memref<!tpu.dma_semaphore, #tpu.memory_space<semaphore_mem>>)
      %dma_wait3A_358 = tpu.memref_slice %arg2[%mul3A_34] : memref<131072xf32, #tpu.memory_space<hbm>> -> memref<4096xf32, #tpu.memory_space<hbm>>
      %dma_wait3A_359 = tpu.memref_slice %arg2[%mul3A_34] : memref<131072xf32, #tpu.memory_space<hbm>> -> memref<4096xf32, #tpu.memory_space<hbm>>
      tpu.wait_dma2 semaphore(%run_scoped3A : memref<!tpu.dma_semaphore, #tpu.memory_space<semaphore_mem>>) src(%dma_wait3A_359 : memref<4096xf32, #tpu.memory_space<hbm>>) dst(%arg5 : memref<4096xf32, #tpu.memory_space<vmem>>)
      tpu.yield
    }) : () -> ()
    %add3A_35 = arith.constant 4 : i32
    %add3A_36 = arith.addi %add3A_35, %select_n3A : i32
    %mul3A_37 = arith.constant 4096 : i32
    %mul3A_38 = arith.muli %add3A_36, %mul3A_37 : i32
    "tpu.region"() ({
      %run_scoped3A = tpu.sem_alloc : memref<!tpu.dma_semaphore, #tpu.memory_space<semaphore_mem>>
      %dma_start3A_356 = tpu.memref_slice %arg2[%mul3A_38] : memref<131072xf32, #tpu.memory_space<hbm>> -> memref<4096xf32, #tpu.memory_space<hbm>>
      %dma_start3A_357 = tpu.memref_slice %arg2[%mul3A_38] : memref<131072xf32, #tpu.memory_space<hbm>> -> memref<4096xf32, #tpu.memory_space<hbm>>
      tpu.enqueue_dma source(%dma_start3A_357 : memref<4096xf32, #tpu.memory_space<hbm>>) target(%arg6 : memref<4096xf32, #tpu.memory_space<vmem>>) target_semaphore(%run_scoped3A : memref<!tpu.dma_semaphore, #tpu.memory_space<semaphore_mem>>)
      %dma_wait3A_358 = tpu.memref_slice %arg2[%mul3A_38] : memref<131072xf32, #tpu.memory_space<hbm>> -> memref<4096xf32, #tpu.memory_space<hbm>>
      %dma_wait3A_359 = tpu.memref_slice %arg2[%mul3A_38] : memref<131072xf32, #tpu.memory_space<hbm>> -> memref<4096xf32, #tpu.memory_space<hbm>>
      tpu.wait_dma2 semaphore(%run_scoped3A : memref<!tpu.dma_semaphore, #tpu.memory_space<semaphore_mem>>) src(%dma_wait3A_359 : memref<4096xf32, #tpu.memory_space<hbm>>) dst(%arg6 : memref<4096xf32, #tpu.memory_space<vmem>>)
      tpu.yield
    }) : () -> ()
    %add3A_39 = arith.constant 8 : i32
    %add3A_40 = arith.addi %add3A_39, %select_n3A : i32
    %mul3A_41 = arith.constant 4096 : i32
    %mul3A_42 = arith.muli %add3A_40, %mul3A_41 : i32
    "tpu.region"() ({
      %run_scoped3A = tpu.sem_alloc : memref<!tpu.dma_semaphore, #tpu.memory_space<semaphore_mem>>
      %dma_start3A_356 = tpu.memref_slice %arg2[%mul3A_42] : memref<131072xf32, #tpu.memory_space<hbm>> -> memref<4096xf32, #tpu.memory_space<hbm>>
      %dma_start3A_357 = tpu.memref_slice %arg2[%mul3A_42] : memref<131072xf32, #tpu.memory_space<hbm>> -> memref<4096xf32, #tpu.memory_space<hbm>>
      tpu.enqueue_dma source(%dma_start3A_357 : memref<4096xf32, #tpu.memory_space<hbm>>) target(%arg7 : memref<4096xf32, #tpu.memory_space<vmem>>) target_semaphore(%run_scoped3A : memref<!tpu.dma_semaphore, #tpu.memory_space<semaphore_mem>>)
      %dma_wait3A_358 = tpu.memref_slice %arg2[%mul3A_42] : memref<131072xf32, #tpu.memory_space<hbm>> -> memref<4096xf32, #tpu.memory_space<hbm>>
      %dma_wait3A_359 = tpu.memref_slice %arg2[%mul3A_42] : memref<131072xf32, #tpu.memory_space<hbm>> -> memref<4096xf32, #tpu.memory_space<hbm>>
      tpu.wait_dma2 semaphore(%run_scoped3A : memref<!tpu.dma_semaphore, #tpu.memory_space<semaphore_mem>>) src(%dma_wait3A_359 : memref<4096xf32, #tpu.memory_space<hbm>>) dst(%arg7 : memref<4096xf32, #tpu.memory_space<vmem>>)
      tpu.yield
    }) : () -> ()
    %mul3A_43 = arith.constant 32768 : i32
    %mul3A_44 = arith.muli %select_n3A_30, %mul3A_43 : i32
    %add3A_45 = arith.constant 0 : i32
    %add3A_46 = arith.addi %mul3A_44, %add3A_45 : i32
    %mul3A_47 = arith.constant 3 : i32
    %mul3A_48 = arith.muli %select_n3A, %mul3A_47 : i32
    %add3A_49 = arith.constant 0 : i32
    %add3A_50 = arith.addi %mul3A_48, %add3A_49 : i32
    %mul3A_51 = arith.constant 262144 : i32
    %mul3A_52 = arith.muli %add3A_50, %mul3A_51 : i32
    %add3A_53 = arith.addi %mul3A_52, %add3A_46 : i32
    %dma_start3A = tpu.memref_slice %arg3[%add3A_53] : memref<3145728xf32, #tpu.memory_space<hbm>> -> memref<8192xf32, #tpu.memory_space<hbm>>
    %dma_start3A_54 = tpu.memref_slice %arg3[%add3A_53] : memref<3145728xf32, #tpu.memory_space<hbm>> -> memref<8192xf32, #tpu.memory_space<hbm>>
    tpu.enqueue_dma source(%dma_start3A_54 : memref<8192xf32, #tpu.memory_space<hbm>>) target(%arg8 : memref<8192xf32, #tpu.memory_space<vmem>>) target_semaphore(%arg20 : memref<!tpu.dma_semaphore, #tpu.memory_space<semaphore_mem>>)
    %mul3A_55 = arith.constant 3 : i32
    %mul3A_56 = arith.muli %select_n3A, %mul3A_55 : i32
    %add3A_57 = arith.constant 1 : i32
    %add3A_58 = arith.addi %mul3A_56, %add3A_57 : i32
    %mul3A_59 = arith.constant 262144 : i32
    %mul3A_60 = arith.muli %add3A_58, %mul3A_59 : i32
    %add3A_61 = arith.addi %mul3A_60, %add3A_46 : i32
    %dma_start3A_62 = tpu.memref_slice %arg3[%add3A_61] : memref<3145728xf32, #tpu.memory_space<hbm>> -> memref<8192xf32, #tpu.memory_space<hbm>>
    %dma_start3A_63 = tpu.memref_slice %arg3[%add3A_61] : memref<3145728xf32, #tpu.memory_space<hbm>> -> memref<8192xf32, #tpu.memory_space<hbm>>
    tpu.enqueue_dma source(%dma_start3A_63 : memref<8192xf32, #tpu.memory_space<hbm>>) target(%arg9 : memref<8192xf32, #tpu.memory_space<vmem>>) target_semaphore(%arg20 : memref<!tpu.dma_semaphore, #tpu.memory_space<semaphore_mem>>)
    %mul3A_64 = arith.constant 3 : i32
    %mul3A_65 = arith.muli %select_n3A, %mul3A_64 : i32
    %add3A_66 = arith.constant 2 : i32
    %add3A_67 = arith.addi %mul3A_65, %add3A_66 : i32
    %mul3A_68 = arith.constant 262144 : i32
    %mul3A_69 = arith.muli %add3A_67, %mul3A_68 : i32
    %add3A_70 = arith.addi %mul3A_69, %add3A_46 : i32
    %dma_start3A_71 = tpu.memref_slice %arg3[%add3A_70] : memref<3145728xf32, #tpu.memory_space<hbm>> -> memref<8192xf32, #tpu.memory_space<hbm>>
    %dma_start3A_72 = tpu.memref_slice %arg3[%add3A_70] : memref<3145728xf32, #tpu.memory_space<hbm>> -> memref<8192xf32, #tpu.memory_space<hbm>>
    tpu.enqueue_dma source(%dma_start3A_72 : memref<8192xf32, #tpu.memory_space<hbm>>) target(%arg10 : memref<8192xf32, #tpu.memory_space<vmem>>) target_semaphore(%arg20 : memref<!tpu.dma_semaphore, #tpu.memory_space<semaphore_mem>>)
    %mul3A_73 = arith.constant 32768 : i32
    %mul3A_74 = arith.muli %select_n3A_30, %mul3A_73 : i32
    %add3A_75 = arith.constant 8192 : i32
    %add3A_76 = arith.addi %mul3A_74, %add3A_75 : i32
    %mul3A_77 = arith.constant 3 : i32
    %mul3A_78 = arith.muli %select_n3A, %mul3A_77 : i32
    %add3A_79 = arith.constant 0 : i32
    %add3A_80 = arith.addi %mul3A_78, %add3A_79 : i32
    %mul3A_81 = arith.constant 262144 : i32
    %mul3A_82 = arith.muli %add3A_80, %mul3A_81 : i32
    %add3A_83 = arith.addi %mul3A_82, %add3A_76 : i32
    %dma_start3A_84 = tpu.memref_slice %arg3[%add3A_83] : memref<3145728xf32, #tpu.memory_space<hbm>> -> memref<8192xf32, #tpu.memory_space<hbm>>
    %dma_start3A_85 = tpu.memref_slice %arg3[%add3A_83] : memref<3145728xf32, #tpu.memory_space<hbm>> -> memref<8192xf32, #tpu.memory_space<hbm>>
    tpu.enqueue_dma source(%dma_start3A_85 : memref<8192xf32, #tpu.memory_space<hbm>>) target(%arg11 : memref<8192xf32, #tpu.memory_space<vmem>>) target_semaphore(%arg21 : memref<!tpu.dma_semaphore, #tpu.memory_space<semaphore_mem>>)
    %mul3A_86 = arith.constant 3 : i32
    %mul3A_87 = arith.muli %select_n3A, %mul3A_86 : i32
    %add3A_88 = arith.constant 1 : i32
    %add3A_89 = arith.addi %mul3A_87, %add3A_88 : i32
    %mul3A_90 = arith.constant 262144 : i32
    %mul3A_91 = arith.muli %add3A_89, %mul3A_90 : i32
    %add3A_92 = arith.addi %mul3A_91, %add3A_76 : i32
    %dma_start3A_93 = tpu.memref_slice %arg3[%add3A_92] : memref<3145728xf32, #tpu.memory_space<hbm>> -> memref<8192xf32, #tpu.memory_space<hbm>>
    %dma_start3A_94 = tpu.memref_slice %arg3[%add3A_92] : memref<3145728xf32, #tpu.memory_space<hbm>> -> memref<8192xf32, #tpu.memory_space<hbm>>
    tpu.enqueue_dma source(%dma_start3A_94 : memref<8192xf32, #tpu.memory_space<hbm>>) target(%arg12 : memref<8192xf32, #tpu.memory_space<vmem>>) target_semaphore(%arg21 : memref<!tpu.dma_semaphore, #tpu.memory_space<semaphore_mem>>)
    %mul3A_95 = arith.constant 3 : i32
    %mul3A_96 = arith.muli %select_n3A, %mul3A_95 : i32
    %add3A_97 = arith.constant 2 : i32
    %add3A_98 = arith.addi %mul3A_96, %add3A_97 : i32
    %mul3A_99 = arith.constant 262144 : i32
    %mul3A_100 = arith.muli %add3A_98, %mul3A_99 : i32
    %add3A_101 = arith.addi %mul3A_100, %add3A_76 : i32
    %dma_start3A_102 = tpu.memref_slice %arg3[%add3A_101] : memref<3145728xf32, #tpu.memory_space<hbm>> -> memref<8192xf32, #tpu.memory_space<hbm>>
    %dma_start3A_103 = tpu.memref_slice %arg3[%add3A_101] : memref<3145728xf32, #tpu.memory_space<hbm>> -> memref<8192xf32, #tpu.memory_space<hbm>>
    tpu.enqueue_dma source(%dma_start3A_103 : memref<8192xf32, #tpu.memory_space<hbm>>) target(%arg13 : memref<8192xf32, #tpu.memory_space<vmem>>) target_semaphore(%arg21 : memref<!tpu.dma_semaphore, #tpu.memory_space<semaphore_mem>>)
    %dma_wait3A = tpu.memref_slice %arg3[%add3A_53] : memref<3145728xf32, #tpu.memory_space<hbm>> -> memref<8192xf32, #tpu.memory_space<hbm>>
    %dma_wait3A_104 = tpu.memref_slice %arg3[%add3A_53] : memref<3145728xf32, #tpu.memory_space<hbm>> -> memref<8192xf32, #tpu.memory_space<hbm>>
    tpu.wait_dma2 semaphore(%arg20 : memref<!tpu.dma_semaphore, #tpu.memory_space<semaphore_mem>>) src(%dma_wait3A_104 : memref<8192xf32, #tpu.memory_space<hbm>>) dst(%arg8 : memref<8192xf32, #tpu.memory_space<vmem>>)
    %dma_wait3A_105 = tpu.memref_slice %arg3[%add3A_61] : memref<3145728xf32, #tpu.memory_space<hbm>> -> memref<8192xf32, #tpu.memory_space<hbm>>
    %dma_wait3A_106 = tpu.memref_slice %arg3[%add3A_61] : memref<3145728xf32, #tpu.memory_space<hbm>> -> memref<8192xf32, #tpu.memory_space<hbm>>
    tpu.wait_dma2 semaphore(%arg20 : memref<!tpu.dma_semaphore, #tpu.memory_space<semaphore_mem>>) src(%dma_wait3A_106 : memref<8192xf32, #tpu.memory_space<hbm>>) dst(%arg9 : memref<8192xf32, #tpu.memory_space<vmem>>)
    %dma_wait3A_107 = tpu.memref_slice %arg3[%add3A_70] : memref<3145728xf32, #tpu.memory_space<hbm>> -> memref<8192xf32, #tpu.memory_space<hbm>>
    %dma_wait3A_108 = tpu.memref_slice %arg3[%add3A_70] : memref<3145728xf32, #tpu.memory_space<hbm>> -> memref<8192xf32, #tpu.memory_space<hbm>>
    tpu.wait_dma2 semaphore(%arg20 : memref<!tpu.dma_semaphore, #tpu.memory_space<semaphore_mem>>) src(%dma_wait3A_108 : memref<8192xf32, #tpu.memory_space<hbm>>) dst(%arg10 : memref<8192xf32, #tpu.memory_space<vmem>>)
    %scan3A = arith.constant 0 : i32
    %scan3A_109 = arith.constant 512 : i32
    %scan3A_110 = arith.addi %scan3A, %scan3A_109 : i32
    %scan3A_111 = arith.constant 1 : i32
    scf.for %scan3A_356 = %scan3A to %scan3A_110 step %scan3A_111  : i32 {
      %mul3A_357 = arith.constant 16 : i32
      %mul3A_358 = arith.muli %scan3A_356, %mul3A_357 : i32
      %get3A = arith.index_cast %mul3A_358 : i32 to index
      %get3A_359 = tpu.vector_load %arg8[%get3A] {strides = array<i32>} : memref<8192xf32, #tpu.memory_space<vmem>>, vector<16xf32>,
      %get3A_360 = arith.index_cast %mul3A_358 : i32 to index
      %get3A_361 = tpu.vector_load %arg9[%get3A_360] {strides = array<i32>} : memref<8192xf32, #tpu.memory_space<vmem>>, vector<16xf32>,
      %get3A_362 = arith.index_cast %mul3A_358 : i32 to index
      %get3A_363 = tpu.vector_load %arg10[%get3A_362] {strides = array<i32>} : memref<8192xf32, #tpu.memory_space<vmem>>, vector<16xf32>,
      %mul3A_364 = arith.constant 1.500000e+01 : f32
      %mul3A_365 = vector.broadcast %mul3A_364 : f32 to vector<16xf32>
      %mul3A_366 = arith.mulf %get3A_359, %mul3A_365 : vector<16xf32>
      %convert_element_type3A = arith.fptosi %mul3A_366 : vector<16xf32> to vector<16xi32>
      %convert_element_type3A_367 = arith.sitofp %convert_element_type3A : vector<16xi32> to vector<16xf32>
      %sub3A_368 = arith.subf %mul3A_366, %convert_element_type3A_367 : vector<16xf32>
      %add3A_369 = arith.constant 1 : i32
      %add3A_370 = vector.broadcast %add3A_369 : i32 to vector<16xi32>
      %add3A_371 = arith.addi %convert_element_type3A, %add3A_370 : vector<16xi32>
      %mul3A_372 = arith.constant 1.500000e+01 : f32
      %mul3A_373 = vector.broadcast %mul3A_372 : f32 to vector<16xf32>
      %mul3A_374 = arith.mulf %get3A_361, %mul3A_373 : vector<16xf32>
      %convert_element_type3A_375 = arith.fptosi %mul3A_374 : vector<16xf32> to vector<16xi32>
      %convert_element_type3A_376 = arith.sitofp %convert_element_type3A_375 : vector<16xi32> to vector<16xf32>
      %sub3A_377 = arith.subf %mul3A_374, %convert_element_type3A_376 : vector<16xf32>
      %add3A_378 = arith.constant 1 : i32
      %add3A_379 = vector.broadcast %add3A_378 : i32 to vector<16xi32>
      %add3A_380 = arith.addi %convert_element_type3A_375, %add3A_379 : vector<16xi32>
      %mul3A_381 = arith.constant 1.500000e+01 : f32
      %mul3A_382 = vector.broadcast %mul3A_381 : f32 to vector<16xf32>
      %mul3A_383 = arith.mulf %get3A_363, %mul3A_382 : vector<16xf32>
      %convert_element_type3A_384 = arith.fptosi %mul3A_383 : vector<16xf32> to vector<16xi32>
      %convert_element_type3A_385 = arith.sitofp %convert_element_type3A_384 : vector<16xi32> to vector<16xf32>
      %sub3A_386 = arith.subf %mul3A_383, %convert_element_type3A_385 : vector<16xf32>
      %add3A_387 = arith.constant 1 : i32
      %add3A_388 = vector.broadcast %add3A_387 : i32 to vector<16xi32>
      %add3A_389 = arith.addi %convert_element_type3A_384, %add3A_388 : vector<16xi32>
      %mul3A_390 = arith.constant 256 : i32
      %mul3A_391 = vector.broadcast %mul3A_390 : i32 to vector<16xi32>
      %mul3A_392 = arith.muli %convert_element_type3A, %mul3A_391 : vector<16xi32>
      %mul3A_393 = arith.constant 256 : i32
      %mul3A_394 = vector.broadcast %mul3A_393 : i32 to vector<16xi32>
      %mul3A_395 = arith.muli %add3A_371, %mul3A_394 : vector<16xi32>
      %mul3A_396 = arith.constant 16 : i32
      %mul3A_397 = vector.broadcast %mul3A_396 : i32 to vector<16xi32>
      %mul3A_398 = arith.muli %convert_element_type3A_375, %mul3A_397 : vector<16xi32>
      %mul3A_399 = arith.constant 16 : i32
      %mul3A_400 = vector.broadcast %mul3A_399 : i32 to vector<16xi32>
      %mul3A_401 = arith.muli %add3A_380, %mul3A_400 : vector<16xi32>
      %add3A_402 = arith.addi %mul3A_392, %mul3A_398 : vector<16xi32>
      %add3A_403 = arith.addi %mul3A_392, %mul3A_401 : vector<16xi32>
      %add3A_404 = arith.addi %mul3A_395, %mul3A_398 : vector<16xi32>
      %add3A_405 = arith.addi %mul3A_395, %mul3A_401 : vector<16xi32>
      %add3A_406 = arith.addi %add3A_402, %convert_element_type3A_384 : vector<16xi32>
      %add3A_407 = arith.addi %add3A_402, %add3A_389 : vector<16xi32>
      %add3A_408 = arith.addi %add3A_403, %convert_element_type3A_384 : vector<16xi32>
      %add3A_409 = arith.addi %add3A_403, %add3A_389 : vector<16xi32>
      %add3A_410 = arith.addi %add3A_404, %convert_element_type3A_384 : vector<16xi32>
      %add3A_411 = arith.addi %add3A_404, %add3A_389 : vector<16xi32>
      %add3A_412 = arith.addi %add3A_405, %convert_element_type3A_384 : vector<16xi32>
      %add3A_413 = arith.addi %add3A_405, %add3A_389 : vector<16xi32>
      %sub3A_414 = arith.constant 1.000000e+00 : f32
      %sub3A_415 = vector.broadcast %sub3A_414 : f32 to vector<16xf32>
      %sub3A_416 = arith.subf %sub3A_415, %sub3A_368 : vector<16xf32>
      %sub3A_417 = arith.constant 1.000000e+00 : f32
      %sub3A_418 = vector.broadcast %sub3A_417 : f32 to vector<16xf32>
      %sub3A_419 = arith.subf %sub3A_418, %sub3A_377 : vector<16xf32>
      %sub3A_420 = arith.constant 1.000000e+00 : f32
      %sub3A_421 = vector.broadcast %sub3A_420 : f32 to vector<16xf32>
      %sub3A_422 = arith.subf %sub3A_421, %sub3A_386 : vector<16xf32>
      %mul3A_423 = arith.mulf %sub3A_416, %sub3A_419 : vector<16xf32>
      %mul3A_424 = arith.mulf %sub3A_416, %sub3A_377 : vector<16xf32>
      %mul3A_425 = arith.mulf %sub3A_368, %sub3A_419 : vector<16xf32>
      %mul3A_426 = arith.mulf %sub3A_368, %sub3A_377 : vector<16xf32>
      %mul3A_427 = arith.mulf %mul3A_423, %sub3A_422 : vector<16xf32>
      %mul3A_428 = arith.mulf %mul3A_423, %sub3A_386 : vector<16xf32>
      %mul3A_429 = arith.mulf %mul3A_424, %sub3A_422 : vector<16xf32>
      %mul3A_430 = arith.mulf %mul3A_424, %sub3A_386 : vector<16xf32>
      %mul3A_431 = arith.mulf %mul3A_425, %sub3A_422 : vector<16xf32>
      %mul3A_432 = arith.mulf %mul3A_425, %sub3A_386 : vector<16xf32>
      %mul3A_433 = arith.mulf %mul3A_426, %sub3A_422 : vector<16xf32>
      %mul3A_434 = arith.mulf %mul3A_426, %sub3A_386 : vector<16xf32>
      %gather3A = tpu.vector_load_idx %arg5[%add3A_406] : memref<4096xf32, #tpu.memory_space<vmem>>[vector<16xi32>], vector<16xf32>,
      %mul3A_435 = arith.mulf %gather3A, %mul3A_427 : vector<16xf32>
      %gather3A_436 = tpu.vector_load_idx %arg5[%add3A_407] : memref<4096xf32, #tpu.memory_space<vmem>>[vector<16xi32>], vector<16xf32>,
      %mul3A_437 = arith.mulf %gather3A_436, %mul3A_428 : vector<16xf32>
      %add3A_438 = arith.addf %mul3A_435, %mul3A_437 : vector<16xf32>
      %gather3A_439 = tpu.vector_load_idx %arg5[%add3A_408] : memref<4096xf32, #tpu.memory_space<vmem>>[vector<16xi32>], vector<16xf32>,
      %mul3A_440 = arith.mulf %gather3A_439, %mul3A_429 : vector<16xf32>
      %add3A_441 = arith.addf %add3A_438, %mul3A_440 : vector<16xf32>
      %gather3A_442 = tpu.vector_load_idx %arg5[%add3A_409] : memref<4096xf32, #tpu.memory_space<vmem>>[vector<16xi32>], vector<16xf32>,
      %mul3A_443 = arith.mulf %gather3A_442, %mul3A_430 : vector<16xf32>
      %add3A_444 = arith.addf %add3A_441, %mul3A_443 : vector<16xf32>
      %gather3A_445 = tpu.vector_load_idx %arg5[%add3A_410] : memref<4096xf32, #tpu.memory_space<vmem>>[vector<16xi32>], vector<16xf32>,
      %mul3A_446 = arith.mulf %gather3A_445, %mul3A_431 : vector<16xf32>
      %add3A_447 = arith.addf %add3A_444, %mul3A_446 : vector<16xf32>
      %gather3A_448 = tpu.vector_load_idx %arg5[%add3A_411] : memref<4096xf32, #tpu.memory_space<vmem>>[vector<16xi32>], vector<16xf32>,
      %mul3A_449 = arith.mulf %gather3A_448, %mul3A_432 : vector<16xf32>
      %add3A_450 = arith.addf %add3A_447, %mul3A_449 : vector<16xf32>
      %gather3A_451 = tpu.vector_load_idx %arg5[%add3A_412] : memref<4096xf32, #tpu.memory_space<vmem>>[vector<16xi32>], vector<16xf32>,
      %mul3A_452 = arith.mulf %gather3A_451, %mul3A_433 : vector<16xf32>
      %add3A_453 = arith.addf %add3A_450, %mul3A_452 : vector<16xf32>
      %gather3A_454 = tpu.vector_load_idx %arg5[%add3A_413] : memref<4096xf32, #tpu.memory_space<vmem>>[vector<16xi32>], vector<16xf32>,
      %mul3A_455 = arith.mulf %gather3A_454, %mul3A_434 : vector<16xf32>
      %add3A_456 = arith.addf %add3A_453, %mul3A_455 : vector<16xf32>
      %swap3A = arith.index_cast %mul3A_358 : i32 to index
      %swap3A_457 = tpu.vector_load %arg14[%swap3A] {strides = array<i32>} : memref<8192xf32, #tpu.memory_space<vmem>>, vector<16xf32>,
      tpu.vector_store %arg14[%swap3A], %add3A_456 {strides = array<i32>} : memref<8192xf32, #tpu.memory_space<vmem>>, vector<16xf32>,
      %gather3A_458 = tpu.vector_load_idx %arg6[%add3A_406] : memref<4096xf32, #tpu.memory_space<vmem>>[vector<16xi32>], vector<16xf32>,
      %mul3A_459 = arith.mulf %gather3A_458, %mul3A_427 : vector<16xf32>
      %gather3A_460 = tpu.vector_load_idx %arg6[%add3A_407] : memref<4096xf32, #tpu.memory_space<vmem>>[vector<16xi32>], vector<16xf32>,
      %mul3A_461 = arith.mulf %gather3A_460, %mul3A_428 : vector<16xf32>
      %add3A_462 = arith.addf %mul3A_459, %mul3A_461 : vector<16xf32>
      %gather3A_463 = tpu.vector_load_idx %arg6[%add3A_408] : memref<4096xf32, #tpu.memory_space<vmem>>[vector<16xi32>], vector<16xf32>,
      %mul3A_464 = arith.mulf %gather3A_463, %mul3A_429 : vector<16xf32>
      %add3A_465 = arith.addf %add3A_462, %mul3A_464 : vector<16xf32>
      %gather3A_466 = tpu.vector_load_idx %arg6[%add3A_409] : memref<4096xf32, #tpu.memory_space<vmem>>[vector<16xi32>], vector<16xf32>,
      %mul3A_467 = arith.mulf %gather3A_466, %mul3A_430 : vector<16xf32>
      %add3A_468 = arith.addf %add3A_465, %mul3A_467 : vector<16xf32>
      %gather3A_469 = tpu.vector_load_idx %arg6[%add3A_410] : memref<4096xf32, #tpu.memory_space<vmem>>[vector<16xi32>], vector<16xf32>,
      %mul3A_470 = arith.mulf %gather3A_469, %mul3A_431 : vector<16xf32>
      %add3A_471 = arith.addf %add3A_468, %mul3A_470 : vector<16xf32>
      %gather3A_472 = tpu.vector_load_idx %arg6[%add3A_411] : memref<4096xf32, #tpu.memory_space<vmem>>[vector<16xi32>], vector<16xf32>,
      %mul3A_473 = arith.mulf %gather3A_472, %mul3A_432 : vector<16xf32>
      %add3A_474 = arith.addf %add3A_471, %mul3A_473 : vector<16xf32>
      %gather3A_475 = tpu.vector_load_idx %arg6[%add3A_412] : memref<4096xf32, #tpu.memory_space<vmem>>[vector<16xi32>], vector<16xf32>,
      %mul3A_476 = arith.mulf %gather3A_475, %mul3A_433 : vector<16xf32>
      %add3A_477 = arith.addf %add3A_474, %mul3A_476 : vector<16xf32>
      %gather3A_478 = tpu.vector_load_idx %arg6[%add3A_413] : memref<4096xf32, #tpu.memory_space<vmem>>[vector<16xi32>], vector<16xf32>,
      %mul3A_479 = arith.mulf %gather3A_478, %mul3A_434 : vector<16xf32>
      %add3A_480 = arith.addf %add3A_477, %mul3A_479 : vector<16xf32>
      %swap3A_481 = arith.index_cast %mul3A_358 : i32 to index
      %swap3A_482 = tpu.vector_load %arg15[%swap3A_481] {strides = array<i32>} : memref<8192xf32, #tpu.memory_space<vmem>>, vector<16xf32>,
      tpu.vector_store %arg15[%swap3A_481], %add3A_480 {strides = array<i32>} : memref<8192xf32, #tpu.memory_space<vmem>>, vector<16xf32>,
      %gather3A_483 = tpu.vector_load_idx %arg7[%add3A_406] : memref<4096xf32, #tpu.memory_space<vmem>>[vector<16xi32>], vector<16xf32>,
      %mul3A_484 = arith.mulf %gather3A_483, %mul3A_427 : vector<16xf32>
      %gather3A_485 = tpu.vector_load_idx %arg7[%add3A_407] : memref<4096xf32, #tpu.memory_space<vmem>>[vector<16xi32>], vector<16xf32>,
      %mul3A_486 = arith.mulf %gather3A_485, %mul3A_428 : vector<16xf32>
      %add3A_487 = arith.addf %mul3A_484, %mul3A_486 : vector<16xf32>
      %gather3A_488 = tpu.vector_load_idx %arg7[%add3A_408] : memref<4096xf32, #tpu.memory_space<vmem>>[vector<16xi32>], vector<16xf32>,
      %mul3A_489 = arith.mulf %gather3A_488, %mul3A_429 : vector<16xf32>
      %add3A_490 = arith.addf %add3A_487, %mul3A_489 : vector<16xf32>
      %gather3A_491 = tpu.vector_load_idx %arg7[%add3A_409] : memref<4096xf32, #tpu.memory_space<vmem>>[vector<16xi32>], vector<16xf32>,
      %mul3A_492 = arith.mulf %gather3A_491, %mul3A_430 : vector<16xf32>
      %add3A_493 = arith.addf %add3A_490, %mul3A_492 : vector<16xf32>
      %gather3A_494 = tpu.vector_load_idx %arg7[%add3A_410] : memref<4096xf32, #tpu.memory_space<vmem>>[vector<16xi32>], vector<16xf32>,
      %mul3A_495 = arith.mulf %gather3A_494, %mul3A_431 : vector<16xf32>
      %add3A_496 = arith.addf %add3A_493, %mul3A_495 : vector<16xf32>
      %gather3A_497 = tpu.vector_load_idx %arg7[%add3A_411] : memref<4096xf32, #tpu.memory_space<vmem>>[vector<16xi32>], vector<16xf32>,
      %mul3A_498 = arith.mulf %gather3A_497, %mul3A_432 : vector<16xf32>
      %add3A_499 = arith.addf %add3A_496, %mul3A_498 : vector<16xf32>
      %gather3A_500 = tpu.vector_load_idx %arg7[%add3A_412] : memref<4096xf32, #tpu.memory_space<vmem>>[vector<16xi32>], vector<16xf32>,
      %mul3A_501 = arith.mulf %gather3A_500, %mul3A_433 : vector<16xf32>
      %add3A_502 = arith.addf %add3A_499, %mul3A_501 : vector<16xf32>
      %gather3A_503 = tpu.vector_load_idx %arg7[%add3A_413] : memref<4096xf32, #tpu.memory_space<vmem>>[vector<16xi32>], vector<16xf32>,
      %mul3A_504 = arith.mulf %gather3A_503, %mul3A_434 : vector<16xf32>
      %add3A_505 = arith.addf %add3A_502, %mul3A_504 : vector<16xf32>
      %swap3A_506 = arith.index_cast %mul3A_358 : i32 to index
      %swap3A_507 = tpu.vector_load %arg16[%swap3A_506] {strides = array<i32>} : memref<8192xf32, #tpu.memory_space<vmem>>, vector<16xf32>,
      tpu.vector_store %arg16[%swap3A_506], %add3A_505 {strides = array<i32>} : memref<8192xf32, #tpu.memory_space<vmem>>, vector<16xf32>,
    }
    %scan3A_112 = arith.constant 512 : i32
    %mul3A_113 = arith.constant 32768 : i32
    %mul3A_114 = arith.muli %select_n3A_30, %mul3A_113 : i32
    %add3A_115 = arith.constant 0 : i32
    %add3A_116 = arith.addi %mul3A_114, %add3A_115 : i32
    %mul3A_117 = arith.constant 3 : i32
    %mul3A_118 = arith.muli %select_n3A, %mul3A_117 : i32
    %add3A_119 = arith.constant 0 : i32
    %add3A_120 = arith.addi %mul3A_118, %add3A_119 : i32
    %mul3A_121 = arith.constant 262144 : i32
    %mul3A_122 = arith.muli %add3A_120, %mul3A_121 : i32
    %add3A_123 = arith.addi %mul3A_122, %add3A_116 : i32
    %dma_start3A_124 = tpu.memref_slice %arg4[%add3A_123] : memref<3145728xf32, #tpu.memory_space<hbm>> -> memref<8192xf32, #tpu.memory_space<hbm>>
    %dma_start3A_125 = tpu.memref_slice %arg4[%add3A_123] : memref<3145728xf32, #tpu.memory_space<hbm>> -> memref<8192xf32, #tpu.memory_space<hbm>>
    tpu.enqueue_dma source(%arg14 : memref<8192xf32, #tpu.memory_space<vmem>>) target(%dma_start3A_125 : memref<8192xf32, #tpu.memory_space<hbm>>) target_semaphore(%arg22 : memref<!tpu.dma_semaphore, #tpu.memory_space<semaphore_mem>>)
    %mul3A_126 = arith.constant 3 : i32
    %mul3A_127 = arith.muli %select_n3A, %mul3A_126 : i32
    %add3A_128 = arith.constant 1 : i32
    %add3A_129 = arith.addi %mul3A_127, %add3A_128 : i32
    %mul3A_130 = arith.constant 262144 : i32
    %mul3A_131 = arith.muli %add3A_129, %mul3A_130 : i32
    %add3A_132 = arith.addi %mul3A_131, %add3A_116 : i32
    %dma_start3A_133 = tpu.memref_slice %arg4[%add3A_132] : memref<3145728xf32, #tpu.memory_space<hbm>> -> memref<8192xf32, #tpu.memory_space<hbm>>
    %dma_start3A_134 = tpu.memref_slice %arg4[%add3A_132] : memref<3145728xf32, #tpu.memory_space<hbm>> -> memref<8192xf32, #tpu.memory_space<hbm>>
    tpu.enqueue_dma source(%arg15 : memref<8192xf32, #tpu.memory_space<vmem>>) target(%dma_start3A_134 : memref<8192xf32, #tpu.memory_space<hbm>>) target_semaphore(%arg22 : memref<!tpu.dma_semaphore, #tpu.memory_space<semaphore_mem>>)
    %mul3A_135 = arith.constant 3 : i32
    %mul3A_136 = arith.muli %select_n3A, %mul3A_135 : i32
    %add3A_137 = arith.constant 2 : i32
    %add3A_138 = arith.addi %mul3A_136, %add3A_137 : i32
    %mul3A_139 = arith.constant 262144 : i32
    %mul3A_140 = arith.muli %add3A_138, %mul3A_139 : i32
    %add3A_141 = arith.addi %mul3A_140, %add3A_116 : i32
    %dma_start3A_142 = tpu.memref_slice %arg4[%add3A_141] : memref<3145728xf32, #tpu.memory_space<hbm>> -> memref<8192xf32, #tpu.memory_space<hbm>>
    %dma_start3A_143 = tpu.memref_slice %arg4[%add3A_141] : memref<3145728xf32, #tpu.memory_space<hbm>> -> memref<8192xf32, #tpu.memory_space<hbm>>
    tpu.enqueue_dma source(%arg16 : memref<8192xf32, #tpu.memory_space<vmem>>) target(%dma_start3A_143 : memref<8192xf32, #tpu.memory_space<hbm>>) target_semaphore(%arg22 : memref<!tpu.dma_semaphore, #tpu.memory_space<semaphore_mem>>)
    %mul3A_144 = arith.constant 32768 : i32
    %mul3A_145 = arith.muli %select_n3A_30, %mul3A_144 : i32
    %add3A_146 = arith.constant 16384 : i32
    %add3A_147 = arith.addi %mul3A_145, %add3A_146 : i32
    %mul3A_148 = arith.constant 3 : i32
    %mul3A_149 = arith.muli %select_n3A, %mul3A_148 : i32
    %add3A_150 = arith.constant 0 : i32
    %add3A_151 = arith.addi %mul3A_149, %add3A_150 : i32
    %mul3A_152 = arith.constant 262144 : i32
    %mul3A_153 = arith.muli %add3A_151, %mul3A_152 : i32
    %add3A_154 = arith.addi %mul3A_153, %add3A_147 : i32
    %dma_start3A_155 = tpu.memref_slice %arg3[%add3A_154] : memref<3145728xf32, #tpu.memory_space<hbm>> -> memref<8192xf32, #tpu.memory_space<hbm>>
    %dma_start3A_156 = tpu.memref_slice %arg3[%add3A_154] : memref<3145728xf32, #tpu.memory_space<hbm>> -> memref<8192xf32, #tpu.memory_space<hbm>>
    tpu.enqueue_dma source(%dma_start3A_156 : memref<8192xf32, #tpu.memory_space<hbm>>) target(%arg8 : memref<8192xf32, #tpu.memory_space<vmem>>) target_semaphore(%arg20 : memref<!tpu.dma_semaphore, #tpu.memory_space<semaphore_mem>>)
    %mul3A_157 = arith.constant 3 : i32
    %mul3A_158 = arith.muli %select_n3A, %mul3A_157 : i32
    %add3A_159 = arith.constant 1 : i32
    %add3A_160 = arith.addi %mul3A_158, %add3A_159 : i32
    %mul3A_161 = arith.constant 262144 : i32
    %mul3A_162 = arith.muli %add3A_160, %mul3A_161 : i32
    %add3A_163 = arith.addi %mul3A_162, %add3A_147 : i32
    %dma_start3A_164 = tpu.memref_slice %arg3[%add3A_163] : memref<3145728xf32, #tpu.memory_space<hbm>> -> memref<8192xf32, #tpu.memory_space<hbm>>
    %dma_start3A_165 = tpu.memref_slice %arg3[%add3A_163] : memref<3145728xf32, #tpu.memory_space<hbm>> -> memref<8192xf32, #tpu.memory_space<hbm>>
    tpu.enqueue_dma source(%dma_start3A_165 : memref<8192xf32, #tpu.memory_space<hbm>>) target(%arg9 : memref<8192xf32, #tpu.memory_space<vmem>>) target_semaphore(%arg20 : memref<!tpu.dma_semaphore, #tpu.memory_space<semaphore_mem>>)
    %mul3A_166 = arith.constant 3 : i32
    %mul3A_167 = arith.muli %select_n3A, %mul3A_166 : i32
    %add3A_168 = arith.constant 2 : i32
    %add3A_169 = arith.addi %mul3A_167, %add3A_168 : i32
    %mul3A_170 = arith.constant 262144 : i32
    %mul3A_171 = arith.muli %add3A_169, %mul3A_170 : i32
    %add3A_172 = arith.addi %mul3A_171, %add3A_147 : i32
    %dma_start3A_173 = tpu.memref_slice %arg3[%add3A_172] : memref<3145728xf32, #tpu.memory_space<hbm>> -> memref<8192xf32, #tpu.memory_space<hbm>>
    %dma_start3A_174 = tpu.memref_slice %arg3[%add3A_172] : memref<3145728xf32, #tpu.memory_space<hbm>> -> memref<8192xf32, #tpu.memory_space<hbm>>
    tpu.enqueue_dma source(%dma_start3A_174 : memref<8192xf32, #tpu.memory_space<hbm>>) target(%arg10 : memref<8192xf32, #tpu.memory_space<vmem>>) target_semaphore(%arg20 : memref<!tpu.dma_semaphore, #tpu.memory_space<semaphore_mem>>)
    %dma_wait3A_175 = tpu.memref_slice %arg3[%add3A_83] : memref<3145728xf32, #tpu.memory_space<hbm>> -> memref<8192xf32, #tpu.memory_space<hbm>>
    %dma_wait3A_176 = tpu.memref_slice %arg3[%add3A_83] : memref<3145728xf32, #tpu.memory_space<hbm>> -> memref<8192xf32, #tpu.memory_space<hbm>>
    tpu.wait_dma2 semaphore(%arg21 : memref<!tpu.dma_semaphore, #tpu.memory_space<semaphore_mem>>) src(%dma_wait3A_176 : memref<8192xf32, #tpu.memory_space<hbm>>) dst(%arg11 : memref<8192xf32, #tpu.memory_space<vmem>>)
    %dma_wait3A_177 = tpu.memref_slice %arg3[%add3A_92] : memref<3145728xf32, #tpu.memory_space<hbm>> -> memref<8192xf32, #tpu.memory_space<hbm>>
    %dma_wait3A_178 = tpu.memref_slice %arg3[%add3A_92] : memref<3145728xf32, #tpu.memory_space<hbm>> -> memref<8192xf32, #tpu.memory_space<hbm>>
    tpu.wait_dma2 semaphore(%arg21 : memref<!tpu.dma_semaphore, #tpu.memory_space<semaphore_mem>>) src(%dma_wait3A_178 : memref<8192xf32, #tpu.memory_space<hbm>>) dst(%arg12 : memref<8192xf32, #tpu.memory_space<vmem>>)
    %dma_wait3A_179 = tpu.memref_slice %arg3[%add3A_101] : memref<3145728xf32, #tpu.memory_space<hbm>> -> memref<8192xf32, #tpu.memory_space<hbm>>
    %dma_wait3A_180 = tpu.memref_slice %arg3[%add3A_101] : memref<3145728xf32, #tpu.memory_space<hbm>> -> memref<8192xf32, #tpu.memory_space<hbm>>
    tpu.wait_dma2 semaphore(%arg21 : memref<!tpu.dma_semaphore, #tpu.memory_space<semaphore_mem>>) src(%dma_wait3A_180 : memref<8192xf32, #tpu.memory_space<hbm>>) dst(%arg13 : memref<8192xf32, #tpu.memory_space<vmem>>)
    %scan3A_181 = arith.constant 0 : i32
    %scan3A_182 = arith.constant 512 : i32
    %scan3A_183 = arith.addi %scan3A_181, %scan3A_182 : i32
    %scan3A_184 = arith.constant 1 : i32
    scf.for %scan3A_356 = %scan3A_181 to %scan3A_183 step %scan3A_184  : i32 {
      %mul3A_357 = arith.constant 16 : i32
      %mul3A_358 = arith.muli %scan3A_356, %mul3A_357 : i32
      %get3A = arith.index_cast %mul3A_358 : i32 to index
      %get3A_359 = tpu.vector_load %arg11[%get3A] {strides = array<i32>} : memref<8192xf32, #tpu.memory_space<vmem>>, vector<16xf32>,
      %get3A_360 = arith.index_cast %mul3A_358 : i32 to index
      %get3A_361 = tpu.vector_load %arg12[%get3A_360] {strides = array<i32>} : memref<8192xf32, #tpu.memory_space<vmem>>, vector<16xf32>,
      %get3A_362 = arith.index_cast %mul3A_358 : i32 to index
      %get3A_363 = tpu.vector_load %arg13[%get3A_362] {strides = array<i32>} : memref<8192xf32, #tpu.memory_space<vmem>>, vector<16xf32>,
      %mul3A_364 = arith.constant 1.500000e+01 : f32
      %mul3A_365 = vector.broadcast %mul3A_364 : f32 to vector<16xf32>
      %mul3A_366 = arith.mulf %get3A_359, %mul3A_365 : vector<16xf32>
      %convert_element_type3A = arith.fptosi %mul3A_366 : vector<16xf32> to vector<16xi32>
      %convert_element_type3A_367 = arith.sitofp %convert_element_type3A : vector<16xi32> to vector<16xf32>
      %sub3A_368 = arith.subf %mul3A_366, %convert_element_type3A_367 : vector<16xf32>
      %add3A_369 = arith.constant 1 : i32
      %add3A_370 = vector.broadcast %add3A_369 : i32 to vector<16xi32>
      %add3A_371 = arith.addi %convert_element_type3A, %add3A_370 : vector<16xi32>
      %mul3A_372 = arith.constant 1.500000e+01 : f32
      %mul3A_373 = vector.broadcast %mul3A_372 : f32 to vector<16xf32>
      %mul3A_374 = arith.mulf %get3A_361, %mul3A_373 : vector<16xf32>
      %convert_element_type3A_375 = arith.fptosi %mul3A_374 : vector<16xf32> to vector<16xi32>
      %convert_element_type3A_376 = arith.sitofp %convert_element_type3A_375 : vector<16xi32> to vector<16xf32>
      %sub3A_377 = arith.subf %mul3A_374, %convert_element_type3A_376 : vector<16xf32>
      %add3A_378 = arith.constant 1 : i32
      %add3A_379 = vector.broadcast %add3A_378 : i32 to vector<16xi32>
      %add3A_380 = arith.addi %convert_element_type3A_375, %add3A_379 : vector<16xi32>
      %mul3A_381 = arith.constant 1.500000e+01 : f32
      %mul3A_382 = vector.broadcast %mul3A_381 : f32 to vector<16xf32>
      %mul3A_383 = arith.mulf %get3A_363, %mul3A_382 : vector<16xf32>
      %convert_element_type3A_384 = arith.fptosi %mul3A_383 : vector<16xf32> to vector<16xi32>
      %convert_element_type3A_385 = arith.sitofp %convert_element_type3A_384 : vector<16xi32> to vector<16xf32>
      %sub3A_386 = arith.subf %mul3A_383, %convert_element_type3A_385 : vector<16xf32>
      %add3A_387 = arith.constant 1 : i32
      %add3A_388 = vector.broadcast %add3A_387 : i32 to vector<16xi32>
      %add3A_389 = arith.addi %convert_element_type3A_384, %add3A_388 : vector<16xi32>
      %mul3A_390 = arith.constant 256 : i32
      %mul3A_391 = vector.broadcast %mul3A_390 : i32 to vector<16xi32>
      %mul3A_392 = arith.muli %convert_element_type3A, %mul3A_391 : vector<16xi32>
      %mul3A_393 = arith.constant 256 : i32
      %mul3A_394 = vector.broadcast %mul3A_393 : i32 to vector<16xi32>
      %mul3A_395 = arith.muli %add3A_371, %mul3A_394 : vector<16xi32>
      %mul3A_396 = arith.constant 16 : i32
      %mul3A_397 = vector.broadcast %mul3A_396 : i32 to vector<16xi32>
      %mul3A_398 = arith.muli %convert_element_type3A_375, %mul3A_397 : vector<16xi32>
      %mul3A_399 = arith.constant 16 : i32
      %mul3A_400 = vector.broadcast %mul3A_399 : i32 to vector<16xi32>
      %mul3A_401 = arith.muli %add3A_380, %mul3A_400 : vector<16xi32>
      %add3A_402 = arith.addi %mul3A_392, %mul3A_398 : vector<16xi32>
      %add3A_403 = arith.addi %mul3A_392, %mul3A_401 : vector<16xi32>
      %add3A_404 = arith.addi %mul3A_395, %mul3A_398 : vector<16xi32>
      %add3A_405 = arith.addi %mul3A_395, %mul3A_401 : vector<16xi32>
      %add3A_406 = arith.addi %add3A_402, %convert_element_type3A_384 : vector<16xi32>
      %add3A_407 = arith.addi %add3A_402, %add3A_389 : vector<16xi32>
      %add3A_408 = arith.addi %add3A_403, %convert_element_type3A_384 : vector<16xi32>
      %add3A_409 = arith.addi %add3A_403, %add3A_389 : vector<16xi32>
      %add3A_410 = arith.addi %add3A_404, %convert_element_type3A_384 : vector<16xi32>
      %add3A_411 = arith.addi %add3A_404, %add3A_389 : vector<16xi32>
      %add3A_412 = arith.addi %add3A_405, %convert_element_type3A_384 : vector<16xi32>
      %add3A_413 = arith.addi %add3A_405, %add3A_389 : vector<16xi32>
      %sub3A_414 = arith.constant 1.000000e+00 : f32
      %sub3A_415 = vector.broadcast %sub3A_414 : f32 to vector<16xf32>
      %sub3A_416 = arith.subf %sub3A_415, %sub3A_368 : vector<16xf32>
      %sub3A_417 = arith.constant 1.000000e+00 : f32
      %sub3A_418 = vector.broadcast %sub3A_417 : f32 to vector<16xf32>
      %sub3A_419 = arith.subf %sub3A_418, %sub3A_377 : vector<16xf32>
      %sub3A_420 = arith.constant 1.000000e+00 : f32
      %sub3A_421 = vector.broadcast %sub3A_420 : f32 to vector<16xf32>
      %sub3A_422 = arith.subf %sub3A_421, %sub3A_386 : vector<16xf32>
      %mul3A_423 = arith.mulf %sub3A_416, %sub3A_419 : vector<16xf32>
      %mul3A_424 = arith.mulf %sub3A_416, %sub3A_377 : vector<16xf32>
      %mul3A_425 = arith.mulf %sub3A_368, %sub3A_419 : vector<16xf32>
      %mul3A_426 = arith.mulf %sub3A_368, %sub3A_377 : vector<16xf32>
      %mul3A_427 = arith.mulf %mul3A_423, %sub3A_422 : vector<16xf32>
      %mul3A_428 = arith.mulf %mul3A_423, %sub3A_386 : vector<16xf32>
      %mul3A_429 = arith.mulf %mul3A_424, %sub3A_422 : vector<16xf32>
      %mul3A_430 = arith.mulf %mul3A_424, %sub3A_386 : vector<16xf32>
      %mul3A_431 = arith.mulf %mul3A_425, %sub3A_422 : vector<16xf32>
      %mul3A_432 = arith.mulf %mul3A_425, %sub3A_386 : vector<16xf32>
      %mul3A_433 = arith.mulf %mul3A_426, %sub3A_422 : vector<16xf32>
      %mul3A_434 = arith.mulf %mul3A_426, %sub3A_386 : vector<16xf32>
      %gather3A = tpu.vector_load_idx %arg5[%add3A_406] : memref<4096xf32, #tpu.memory_space<vmem>>[vector<16xi32>], vector<16xf32>,
      %mul3A_435 = arith.mulf %gather3A, %mul3A_427 : vector<16xf32>
      %gather3A_436 = tpu.vector_load_idx %arg5[%add3A_407] : memref<4096xf32, #tpu.memory_space<vmem>>[vector<16xi32>], vector<16xf32>,
      %mul3A_437 = arith.mulf %gather3A_436, %mul3A_428 : vector<16xf32>
      %add3A_438 = arith.addf %mul3A_435, %mul3A_437 : vector<16xf32>
      %gather3A_439 = tpu.vector_load_idx %arg5[%add3A_408] : memref<4096xf32, #tpu.memory_space<vmem>>[vector<16xi32>], vector<16xf32>,
      %mul3A_440 = arith.mulf %gather3A_439, %mul3A_429 : vector<16xf32>
      %add3A_441 = arith.addf %add3A_438, %mul3A_440 : vector<16xf32>
      %gather3A_442 = tpu.vector_load_idx %arg5[%add3A_409] : memref<4096xf32, #tpu.memory_space<vmem>>[vector<16xi32>], vector<16xf32>,
      %mul3A_443 = arith.mulf %gather3A_442, %mul3A_430 : vector<16xf32>
      %add3A_444 = arith.addf %add3A_441, %mul3A_443 : vector<16xf32>
      %gather3A_445 = tpu.vector_load_idx %arg5[%add3A_410] : memref<4096xf32, #tpu.memory_space<vmem>>[vector<16xi32>], vector<16xf32>,
      %mul3A_446 = arith.mulf %gather3A_445, %mul3A_431 : vector<16xf32>
      %add3A_447 = arith.addf %add3A_444, %mul3A_446 : vector<16xf32>
      %gather3A_448 = tpu.vector_load_idx %arg5[%add3A_411] : memref<4096xf32, #tpu.memory_space<vmem>>[vector<16xi32>], vector<16xf32>,
      %mul3A_449 = arith.mulf %gather3A_448, %mul3A_432 : vector<16xf32>
      %add3A_450 = arith.addf %add3A_447, %mul3A_449 : vector<16xf32>
      %gather3A_451 = tpu.vector_load_idx %arg5[%add3A_412] : memref<4096xf32, #tpu.memory_space<vmem>>[vector<16xi32>], vector<16xf32>,
      %mul3A_452 = arith.mulf %gather3A_451, %mul3A_433 : vector<16xf32>
      %add3A_453 = arith.addf %add3A_450, %mul3A_452 : vector<16xf32>
      %gather3A_454 = tpu.vector_load_idx %arg5[%add3A_413] : memref<4096xf32, #tpu.memory_space<vmem>>[vector<16xi32>], vector<16xf32>,
      %mul3A_455 = arith.mulf %gather3A_454, %mul3A_434 : vector<16xf32>
      %add3A_456 = arith.addf %add3A_453, %mul3A_455 : vector<16xf32>
      %swap3A = arith.index_cast %mul3A_358 : i32 to index
      %swap3A_457 = tpu.vector_load %arg17[%swap3A] {strides = array<i32>} : memref<8192xf32, #tpu.memory_space<vmem>>, vector<16xf32>,
      tpu.vector_store %arg17[%swap3A], %add3A_456 {strides = array<i32>} : memref<8192xf32, #tpu.memory_space<vmem>>, vector<16xf32>,
      %gather3A_458 = tpu.vector_load_idx %arg6[%add3A_406] : memref<4096xf32, #tpu.memory_space<vmem>>[vector<16xi32>], vector<16xf32>,
      %mul3A_459 = arith.mulf %gather3A_458, %mul3A_427 : vector<16xf32>
      %gather3A_460 = tpu.vector_load_idx %arg6[%add3A_407] : memref<4096xf32, #tpu.memory_space<vmem>>[vector<16xi32>], vector<16xf32>,
      %mul3A_461 = arith.mulf %gather3A_460, %mul3A_428 : vector<16xf32>
      %add3A_462 = arith.addf %mul3A_459, %mul3A_461 : vector<16xf32>
      %gather3A_463 = tpu.vector_load_idx %arg6[%add3A_408] : memref<4096xf32, #tpu.memory_space<vmem>>[vector<16xi32>], vector<16xf32>,
      %mul3A_464 = arith.mulf %gather3A_463, %mul3A_429 : vector<16xf32>
      %add3A_465 = arith.addf %add3A_462, %mul3A_464 : vector<16xf32>
      %gather3A_466 = tpu.vector_load_idx %arg6[%add3A_409] : memref<4096xf32, #tpu.memory_space<vmem>>[vector<16xi32>], vector<16xf32>,
      %mul3A_467 = arith.mulf %gather3A_466, %mul3A_430 : vector<16xf32>
      %add3A_468 = arith.addf %add3A_465, %mul3A_467 : vector<16xf32>
      %gather3A_469 = tpu.vector_load_idx %arg6[%add3A_410] : memref<4096xf32, #tpu.memory_space<vmem>>[vector<16xi32>], vector<16xf32>,
      %mul3A_470 = arith.mulf %gather3A_469, %mul3A_431 : vector<16xf32>
      %add3A_471 = arith.addf %add3A_468, %mul3A_470 : vector<16xf32>
      %gather3A_472 = tpu.vector_load_idx %arg6[%add3A_411] : memref<4096xf32, #tpu.memory_space<vmem>>[vector<16xi32>], vector<16xf32>,
      %mul3A_473 = arith.mulf %gather3A_472, %mul3A_432 : vector<16xf32>
      %add3A_474 = arith.addf %add3A_471, %mul3A_473 : vector<16xf32>
      %gather3A_475 = tpu.vector_load_idx %arg6[%add3A_412] : memref<4096xf32, #tpu.memory_space<vmem>>[vector<16xi32>], vector<16xf32>,
      %mul3A_476 = arith.mulf %gather3A_475, %mul3A_433 : vector<16xf32>
      %add3A_477 = arith.addf %add3A_474, %mul3A_476 : vector<16xf32>
      %gather3A_478 = tpu.vector_load_idx %arg6[%add3A_413] : memref<4096xf32, #tpu.memory_space<vmem>>[vector<16xi32>], vector<16xf32>,
      %mul3A_479 = arith.mulf %gather3A_478, %mul3A_434 : vector<16xf32>
      %add3A_480 = arith.addf %add3A_477, %mul3A_479 : vector<16xf32>
      %swap3A_481 = arith.index_cast %mul3A_358 : i32 to index
      %swap3A_482 = tpu.vector_load %arg18[%swap3A_481] {strides = array<i32>} : memref<8192xf32, #tpu.memory_space<vmem>>, vector<16xf32>,
      tpu.vector_store %arg18[%swap3A_481], %add3A_480 {strides = array<i32>} : memref<8192xf32, #tpu.memory_space<vmem>>, vector<16xf32>,
      %gather3A_483 = tpu.vector_load_idx %arg7[%add3A_406] : memref<4096xf32, #tpu.memory_space<vmem>>[vector<16xi32>], vector<16xf32>,
      %mul3A_484 = arith.mulf %gather3A_483, %mul3A_427 : vector<16xf32>
      %gather3A_485 = tpu.vector_load_idx %arg7[%add3A_407] : memref<4096xf32, #tpu.memory_space<vmem>>[vector<16xi32>], vector<16xf32>,
      %mul3A_486 = arith.mulf %gather3A_485, %mul3A_428 : vector<16xf32>
      %add3A_487 = arith.addf %mul3A_484, %mul3A_486 : vector<16xf32>
      %gather3A_488 = tpu.vector_load_idx %arg7[%add3A_408] : memref<4096xf32, #tpu.memory_space<vmem>>[vector<16xi32>], vector<16xf32>,
      %mul3A_489 = arith.mulf %gather3A_488, %mul3A_429 : vector<16xf32>
      %add3A_490 = arith.addf %add3A_487, %mul3A_489 : vector<16xf32>
      %gather3A_491 = tpu.vector_load_idx %arg7[%add3A_409] : memref<4096xf32, #tpu.memory_space<vmem>>[vector<16xi32>], vector<16xf32>,
      %mul3A_492 = arith.mulf %gather3A_491, %mul3A_430 : vector<16xf32>
      %add3A_493 = arith.addf %add3A_490, %mul3A_492 : vector<16xf32>
      %gather3A_494 = tpu.vector_load_idx %arg7[%add3A_410] : memref<4096xf32, #tpu.memory_space<vmem>>[vector<16xi32>], vector<16xf32>,
      %mul3A_495 = arith.mulf %gather3A_494, %mul3A_431 : vector<16xf32>
      %add3A_496 = arith.addf %add3A_493, %mul3A_495 : vector<16xf32>
      %gather3A_497 = tpu.vector_load_idx %arg7[%add3A_411] : memref<4096xf32, #tpu.memory_space<vmem>>[vector<16xi32>], vector<16xf32>,
      %mul3A_498 = arith.mulf %gather3A_497, %mul3A_432 : vector<16xf32>
      %add3A_499 = arith.addf %add3A_496, %mul3A_498 : vector<16xf32>
      %gather3A_500 = tpu.vector_load_idx %arg7[%add3A_412] : memref<4096xf32, #tpu.memory_space<vmem>>[vector<16xi32>], vector<16xf32>,
      %mul3A_501 = arith.mulf %gather3A_500, %mul3A_433 : vector<16xf32>
      %add3A_502 = arith.addf %add3A_499, %mul3A_501 : vector<16xf32>
      %gather3A_503 = tpu.vector_load_idx %arg7[%add3A_413] : memref<4096xf32, #tpu.memory_space<vmem>>[vector<16xi32>], vector<16xf32>,
      %mul3A_504 = arith.mulf %gather3A_503, %mul3A_434 : vector<16xf32>
      %add3A_505 = arith.addf %add3A_502, %mul3A_504 : vector<16xf32>
      %swap3A_506 = arith.index_cast %mul3A_358 : i32 to index
      %swap3A_507 = tpu.vector_load %arg19[%swap3A_506] {strides = array<i32>} : memref<8192xf32, #tpu.memory_space<vmem>>, vector<16xf32>,
      tpu.vector_store %arg19[%swap3A_506], %add3A_505 {strides = array<i32>} : memref<8192xf32, #tpu.memory_space<vmem>>, vector<16xf32>,
    }
    %scan3A_185 = arith.constant 512 : i32
    %mul3A_186 = arith.constant 32768 : i32
    %mul3A_187 = arith.muli %select_n3A_30, %mul3A_186 : i32
    %add3A_188 = arith.constant 8192 : i32
    %add3A_189 = arith.addi %mul3A_187, %add3A_188 : i32
    %mul3A_190 = arith.constant 3 : i32
    %mul3A_191 = arith.muli %select_n3A, %mul3A_190 : i32
    %add3A_192 = arith.constant 0 : i32
    %add3A_193 = arith.addi %mul3A_191, %add3A_192 : i32
    %mul3A_194 = arith.constant 262144 : i32
    %mul3A_195 = arith.muli %add3A_193, %mul3A_194 : i32
    %add3A_196 = arith.addi %mul3A_195, %add3A_189 : i32
    %dma_start3A_197 = tpu.memref_slice %arg4[%add3A_196] : memref<3145728xf32, #tpu.memory_space<hbm>> -> memref<8192xf32, #tpu.memory_space<hbm>>
    %dma_start3A_198 = tpu.memref_slice %arg4[%add3A_196] : memref<3145728xf32, #tpu.memory_space<hbm>> -> memref<8192xf32, #tpu.memory_space<hbm>>
    tpu.enqueue_dma source(%arg17 : memref<8192xf32, #tpu.memory_space<vmem>>) target(%dma_start3A_198 : memref<8192xf32, #tpu.memory_space<hbm>>) target_semaphore(%arg23 : memref<!tpu.dma_semaphore, #tpu.memory_space<semaphore_mem>>)
    %mul3A_199 = arith.constant 3 : i32
    %mul3A_200 = arith.muli %select_n3A, %mul3A_199 : i32
    %add3A_201 = arith.constant 1 : i32
    %add3A_202 = arith.addi %mul3A_200, %add3A_201 : i32
    %mul3A_203 = arith.constant 262144 : i32
    %mul3A_204 = arith.muli %add3A_202, %mul3A_203 : i32
    %add3A_205 = arith.addi %mul3A_204, %add3A_189 : i32
    %dma_start3A_206 = tpu.memref_slice %arg4[%add3A_205] : memref<3145728xf32, #tpu.memory_space<hbm>> -> memref<8192xf32, #tpu.memory_space<hbm>>
    %dma_start3A_207 = tpu.memref_slice %arg4[%add3A_205] : memref<3145728xf32, #tpu.memory_space<hbm>> -> memref<8192xf32, #tpu.memory_space<hbm>>
    tpu.enqueue_dma source(%arg18 : memref<8192xf32, #tpu.memory_space<vmem>>) target(%dma_start3A_207 : memref<8192xf32, #tpu.memory_space<hbm>>) target_semaphore(%arg23 : memref<!tpu.dma_semaphore, #tpu.memory_space<semaphore_mem>>)
    %mul3A_208 = arith.constant 3 : i32
    %mul3A_209 = arith.muli %select_n3A, %mul3A_208 : i32
    %add3A_210 = arith.constant 2 : i32
    %add3A_211 = arith.addi %mul3A_209, %add3A_210 : i32
    %mul3A_212 = arith.constant 262144 : i32
    %mul3A_213 = arith.muli %add3A_211, %mul3A_212 : i32
    %add3A_214 = arith.addi %mul3A_213, %add3A_189 : i32
    %dma_start3A_215 = tpu.memref_slice %arg4[%add3A_214] : memref<3145728xf32, #tpu.memory_space<hbm>> -> memref<8192xf32, #tpu.memory_space<hbm>>
    %dma_start3A_216 = tpu.memref_slice %arg4[%add3A_214] : memref<3145728xf32, #tpu.memory_space<hbm>> -> memref<8192xf32, #tpu.memory_space<hbm>>
    tpu.enqueue_dma source(%arg19 : memref<8192xf32, #tpu.memory_space<vmem>>) target(%dma_start3A_216 : memref<8192xf32, #tpu.memory_space<hbm>>) target_semaphore(%arg23 : memref<!tpu.dma_semaphore, #tpu.memory_space<semaphore_mem>>)
    %mul3A_217 = arith.constant 32768 : i32
    %mul3A_218 = arith.muli %select_n3A_30, %mul3A_217 : i32
    %add3A_219 = arith.constant 24576 : i32
    %add3A_220 = arith.addi %mul3A_218, %add3A_219 : i32
    %mul3A_221 = arith.constant 3 : i32
    %mul3A_222 = arith.muli %select_n3A, %mul3A_221 : i32
    %add3A_223 = arith.constant 0 : i32
    %add3A_224 = arith.addi %mul3A_222, %add3A_223 : i32
    %mul3A_225 = arith.constant 262144 : i32
    %mul3A_226 = arith.muli %add3A_224, %mul3A_225 : i32
    %add3A_227 = arith.addi %mul3A_226, %add3A_220 : i32
    %dma_start3A_228 = tpu.memref_slice %arg3[%add3A_227] : memref<3145728xf32, #tpu.memory_space<hbm>> -> memref<8192xf32, #tpu.memory_space<hbm>>
    %dma_start3A_229 = tpu.memref_slice %arg3[%add3A_227] : memref<3145728xf32, #tpu.memory_space<hbm>> -> memref<8192xf32, #tpu.memory_space<hbm>>
    tpu.enqueue_dma source(%dma_start3A_229 : memref<8192xf32, #tpu.memory_space<hbm>>) target(%arg11 : memref<8192xf32, #tpu.memory_space<vmem>>) target_semaphore(%arg21 : memref<!tpu.dma_semaphore, #tpu.memory_space<semaphore_mem>>)
    %mul3A_230 = arith.constant 3 : i32
    %mul3A_231 = arith.muli %select_n3A, %mul3A_230 : i32
    %add3A_232 = arith.constant 1 : i32
    %add3A_233 = arith.addi %mul3A_231, %add3A_232 : i32
    %mul3A_234 = arith.constant 262144 : i32
    %mul3A_235 = arith.muli %add3A_233, %mul3A_234 : i32
    %add3A_236 = arith.addi %mul3A_235, %add3A_220 : i32
    %dma_start3A_237 = tpu.memref_slice %arg3[%add3A_236] : memref<3145728xf32, #tpu.memory_space<hbm>> -> memref<8192xf32, #tpu.memory_space<hbm>>
    %dma_start3A_238 = tpu.memref_slice %arg3[%add3A_236] : memref<3145728xf32, #tpu.memory_space<hbm>> -> memref<8192xf32, #tpu.memory_space<hbm>>
    tpu.enqueue_dma source(%dma_start3A_238 : memref<8192xf32, #tpu.memory_space<hbm>>) target(%arg12 : memref<8192xf32, #tpu.memory_space<vmem>>) target_semaphore(%arg21 : memref<!tpu.dma_semaphore, #tpu.memory_space<semaphore_mem>>)
    %mul3A_239 = arith.constant 3 : i32
    %mul3A_240 = arith.muli %select_n3A, %mul3A_239 : i32
    %add3A_241 = arith.constant 2 : i32
    %add3A_242 = arith.addi %mul3A_240, %add3A_241 : i32
    %mul3A_243 = arith.constant 262144 : i32
    %mul3A_244 = arith.muli %add3A_242, %mul3A_243 : i32
    %add3A_245 = arith.addi %mul3A_244, %add3A_220 : i32
    %dma_start3A_246 = tpu.memref_slice %arg3[%add3A_245] : memref<3145728xf32, #tpu.memory_space<hbm>> -> memref<8192xf32, #tpu.memory_space<hbm>>
    %dma_start3A_247 = tpu.memref_slice %arg3[%add3A_245] : memref<3145728xf32, #tpu.memory_space<hbm>> -> memref<8192xf32, #tpu.memory_space<hbm>>
    tpu.enqueue_dma source(%dma_start3A_247 : memref<8192xf32, #tpu.memory_space<hbm>>) target(%arg13 : memref<8192xf32, #tpu.memory_space<vmem>>) target_semaphore(%arg21 : memref<!tpu.dma_semaphore, #tpu.memory_space<semaphore_mem>>)
    %dma_wait3A_248 = tpu.memref_slice %arg3[%add3A_154] : memref<3145728xf32, #tpu.memory_space<hbm>> -> memref<8192xf32, #tpu.memory_space<hbm>>
    %dma_wait3A_249 = tpu.memref_slice %arg3[%add3A_154] : memref<3145728xf32, #tpu.memory_space<hbm>> -> memref<8192xf32, #tpu.memory_space<hbm>>
    tpu.wait_dma2 semaphore(%arg20 : memref<!tpu.dma_semaphore, #tpu.memory_space<semaphore_mem>>) src(%dma_wait3A_249 : memref<8192xf32, #tpu.memory_space<hbm>>) dst(%arg8 : memref<8192xf32, #tpu.memory_space<vmem>>)
    %dma_wait3A_250 = tpu.memref_slice %arg3[%add3A_163] : memref<3145728xf32, #tpu.memory_space<hbm>> -> memref<8192xf32, #tpu.memory_space<hbm>>
    %dma_wait3A_251 = tpu.memref_slice %arg3[%add3A_163] : memref<3145728xf32, #tpu.memory_space<hbm>> -> memref<8192xf32, #tpu.memory_space<hbm>>
    tpu.wait_dma2 semaphore(%arg20 : memref<!tpu.dma_semaphore, #tpu.memory_space<semaphore_mem>>) src(%dma_wait3A_251 : memref<8192xf32, #tpu.memory_space<hbm>>) dst(%arg9 : memref<8192xf32, #tpu.memory_space<vmem>>)
    %dma_wait3A_252 = tpu.memref_slice %arg3[%add3A_172] : memref<3145728xf32, #tpu.memory_space<hbm>> -> memref<8192xf32, #tpu.memory_space<hbm>>
    %dma_wait3A_253 = tpu.memref_slice %arg3[%add3A_172] : memref<3145728xf32, #tpu.memory_space<hbm>> -> memref<8192xf32, #tpu.memory_space<hbm>>
    tpu.wait_dma2 semaphore(%arg20 : memref<!tpu.dma_semaphore, #tpu.memory_space<semaphore_mem>>) src(%dma_wait3A_253 : memref<8192xf32, #tpu.memory_space<hbm>>) dst(%arg10 : memref<8192xf32, #tpu.memory_space<vmem>>)
    %dma_wait3A_254 = tpu.memref_slice %arg4[%add3A_123] : memref<3145728xf32, #tpu.memory_space<hbm>> -> memref<8192xf32, #tpu.memory_space<hbm>>
    %dma_wait3A_255 = tpu.memref_slice %arg4[%add3A_123] : memref<3145728xf32, #tpu.memory_space<hbm>> -> memref<8192xf32, #tpu.memory_space<hbm>>
    tpu.wait_dma2 semaphore(%arg22 : memref<!tpu.dma_semaphore, #tpu.memory_space<semaphore_mem>>) src(%arg14 : memref<8192xf32, #tpu.memory_space<vmem>>) dst(%dma_wait3A_255 : memref<8192xf32, #tpu.memory_space<hbm>>)
    %dma_wait3A_256 = tpu.memref_slice %arg4[%add3A_132] : memref<3145728xf32, #tpu.memory_space<hbm>> -> memref<8192xf32, #tpu.memory_space<hbm>>
    %dma_wait3A_257 = tpu.memref_slice %arg4[%add3A_132] : memref<3145728xf32, #tpu.memory_space<hbm>> -> memref<8192xf32, #tpu.memory_space<hbm>>
    tpu.wait_dma2 semaphore(%arg22 : memref<!tpu.dma_semaphore, #tpu.memory_space<semaphore_mem>>) src(%arg15 : memref<8192xf32, #tpu.memory_space<vmem>>) dst(%dma_wait3A_257 : memref<8192xf32, #tpu.memory_space<hbm>>)
    %dma_wait3A_258 = tpu.memref_slice %arg4[%add3A_141] : memref<3145728xf32, #tpu.memory_space<hbm>> -> memref<8192xf32, #tpu.memory_space<hbm>>
    %dma_wait3A_259 = tpu.memref_slice %arg4[%add3A_141] : memref<3145728xf32, #tpu.memory_space<hbm>> -> memref<8192xf32, #tpu.memory_space<hbm>>
    tpu.wait_dma2 semaphore(%arg22 : memref<!tpu.dma_semaphore, #tpu.memory_space<semaphore_mem>>) src(%arg16 : memref<8192xf32, #tpu.memory_space<vmem>>) dst(%dma_wait3A_259 : memref<8192xf32, #tpu.memory_space<hbm>>)
    %scan3A_260 = arith.constant 0 : i32
    %scan3A_261 = arith.constant 512 : i32
    %scan3A_262 = arith.addi %scan3A_260, %scan3A_261 : i32
    %scan3A_263 = arith.constant 1 : i32
    scf.for %scan3A_356 = %scan3A_260 to %scan3A_262 step %scan3A_263  : i32 {
      %mul3A_357 = arith.constant 16 : i32
      %mul3A_358 = arith.muli %scan3A_356, %mul3A_357 : i32
      %get3A = arith.index_cast %mul3A_358 : i32 to index
      %get3A_359 = tpu.vector_load %arg8[%get3A] {strides = array<i32>} : memref<8192xf32, #tpu.memory_space<vmem>>, vector<16xf32>,
      %get3A_360 = arith.index_cast %mul3A_358 : i32 to index
      %get3A_361 = tpu.vector_load %arg9[%get3A_360] {strides = array<i32>} : memref<8192xf32, #tpu.memory_space<vmem>>, vector<16xf32>,
      %get3A_362 = arith.index_cast %mul3A_358 : i32 to index
      %get3A_363 = tpu.vector_load %arg10[%get3A_362] {strides = array<i32>} : memref<8192xf32, #tpu.memory_space<vmem>>, vector<16xf32>,
      %mul3A_364 = arith.constant 1.500000e+01 : f32
      %mul3A_365 = vector.broadcast %mul3A_364 : f32 to vector<16xf32>
      %mul3A_366 = arith.mulf %get3A_359, %mul3A_365 : vector<16xf32>
      %convert_element_type3A = arith.fptosi %mul3A_366 : vector<16xf32> to vector<16xi32>
      %convert_element_type3A_367 = arith.sitofp %convert_element_type3A : vector<16xi32> to vector<16xf32>
      %sub3A_368 = arith.subf %mul3A_366, %convert_element_type3A_367 : vector<16xf32>
      %add3A_369 = arith.constant 1 : i32
      %add3A_370 = vector.broadcast %add3A_369 : i32 to vector<16xi32>
      %add3A_371 = arith.addi %convert_element_type3A, %add3A_370 : vector<16xi32>
      %mul3A_372 = arith.constant 1.500000e+01 : f32
      %mul3A_373 = vector.broadcast %mul3A_372 : f32 to vector<16xf32>
      %mul3A_374 = arith.mulf %get3A_361, %mul3A_373 : vector<16xf32>
      %convert_element_type3A_375 = arith.fptosi %mul3A_374 : vector<16xf32> to vector<16xi32>
      %convert_element_type3A_376 = arith.sitofp %convert_element_type3A_375 : vector<16xi32> to vector<16xf32>
      %sub3A_377 = arith.subf %mul3A_374, %convert_element_type3A_376 : vector<16xf32>
      %add3A_378 = arith.constant 1 : i32
      %add3A_379 = vector.broadcast %add3A_378 : i32 to vector<16xi32>
      %add3A_380 = arith.addi %convert_element_type3A_375, %add3A_379 : vector<16xi32>
      %mul3A_381 = arith.constant 1.500000e+01 : f32
      %mul3A_382 = vector.broadcast %mul3A_381 : f32 to vector<16xf32>
      %mul3A_383 = arith.mulf %get3A_363, %mul3A_382 : vector<16xf32>
      %convert_element_type3A_384 = arith.fptosi %mul3A_383 : vector<16xf32> to vector<16xi32>
      %convert_element_type3A_385 = arith.sitofp %convert_element_type3A_384 : vector<16xi32> to vector<16xf32>
      %sub3A_386 = arith.subf %mul3A_383, %convert_element_type3A_385 : vector<16xf32>
      %add3A_387 = arith.constant 1 : i32
      %add3A_388 = vector.broadcast %add3A_387 : i32 to vector<16xi32>
      %add3A_389 = arith.addi %convert_element_type3A_384, %add3A_388 : vector<16xi32>
      %mul3A_390 = arith.constant 256 : i32
      %mul3A_391 = vector.broadcast %mul3A_390 : i32 to vector<16xi32>
      %mul3A_392 = arith.muli %convert_element_type3A, %mul3A_391 : vector<16xi32>
      %mul3A_393 = arith.constant 256 : i32
      %mul3A_394 = vector.broadcast %mul3A_393 : i32 to vector<16xi32>
      %mul3A_395 = arith.muli %add3A_371, %mul3A_394 : vector<16xi32>
      %mul3A_396 = arith.constant 16 : i32
      %mul3A_397 = vector.broadcast %mul3A_396 : i32 to vector<16xi32>
      %mul3A_398 = arith.muli %convert_element_type3A_375, %mul3A_397 : vector<16xi32>
      %mul3A_399 = arith.constant 16 : i32
      %mul3A_400 = vector.broadcast %mul3A_399 : i32 to vector<16xi32>
      %mul3A_401 = arith.muli %add3A_380, %mul3A_400 : vector<16xi32>
      %add3A_402 = arith.addi %mul3A_392, %mul3A_398 : vector<16xi32>
      %add3A_403 = arith.addi %mul3A_392, %mul3A_401 : vector<16xi32>
      %add3A_404 = arith.addi %mul3A_395, %mul3A_398 : vector<16xi32>
      %add3A_405 = arith.addi %mul3A_395, %mul3A_401 : vector<16xi32>
      %add3A_406 = arith.addi %add3A_402, %convert_element_type3A_384 : vector<16xi32>
      %add3A_407 = arith.addi %add3A_402, %add3A_389 : vector<16xi32>
      %add3A_408 = arith.addi %add3A_403, %convert_element_type3A_384 : vector<16xi32>
      %add3A_409 = arith.addi %add3A_403, %add3A_389 : vector<16xi32>
      %add3A_410 = arith.addi %add3A_404, %convert_element_type3A_384 : vector<16xi32>
      %add3A_411 = arith.addi %add3A_404, %add3A_389 : vector<16xi32>
      %add3A_412 = arith.addi %add3A_405, %convert_element_type3A_384 : vector<16xi32>
      %add3A_413 = arith.addi %add3A_405, %add3A_389 : vector<16xi32>
      %sub3A_414 = arith.constant 1.000000e+00 : f32
      %sub3A_415 = vector.broadcast %sub3A_414 : f32 to vector<16xf32>
      %sub3A_416 = arith.subf %sub3A_415, %sub3A_368 : vector<16xf32>
      %sub3A_417 = arith.constant 1.000000e+00 : f32
      %sub3A_418 = vector.broadcast %sub3A_417 : f32 to vector<16xf32>
      %sub3A_419 = arith.subf %sub3A_418, %sub3A_377 : vector<16xf32>
      %sub3A_420 = arith.constant 1.000000e+00 : f32
      %sub3A_421 = vector.broadcast %sub3A_420 : f32 to vector<16xf32>
      %sub3A_422 = arith.subf %sub3A_421, %sub3A_386 : vector<16xf32>
      %mul3A_423 = arith.mulf %sub3A_416, %sub3A_419 : vector<16xf32>
      %mul3A_424 = arith.mulf %sub3A_416, %sub3A_377 : vector<16xf32>
      %mul3A_425 = arith.mulf %sub3A_368, %sub3A_419 : vector<16xf32>
      %mul3A_426 = arith.mulf %sub3A_368, %sub3A_377 : vector<16xf32>
      %mul3A_427 = arith.mulf %mul3A_423, %sub3A_422 : vector<16xf32>
      %mul3A_428 = arith.mulf %mul3A_423, %sub3A_386 : vector<16xf32>
      %mul3A_429 = arith.mulf %mul3A_424, %sub3A_422 : vector<16xf32>
      %mul3A_430 = arith.mulf %mul3A_424, %sub3A_386 : vector<16xf32>
      %mul3A_431 = arith.mulf %mul3A_425, %sub3A_422 : vector<16xf32>
      %mul3A_432 = arith.mulf %mul3A_425, %sub3A_386 : vector<16xf32>
      %mul3A_433 = arith.mulf %mul3A_426, %sub3A_422 : vector<16xf32>
      %mul3A_434 = arith.mulf %mul3A_426, %sub3A_386 : vector<16xf32>
      %gather3A = tpu.vector_load_idx %arg5[%add3A_406] : memref<4096xf32, #tpu.memory_space<vmem>>[vector<16xi32>], vector<16xf32>,
      %mul3A_435 = arith.mulf %gather3A, %mul3A_427 : vector<16xf32>
      %gather3A_436 = tpu.vector_load_idx %arg5[%add3A_407] : memref<4096xf32, #tpu.memory_space<vmem>>[vector<16xi32>], vector<16xf32>,
      %mul3A_437 = arith.mulf %gather3A_436, %mul3A_428 : vector<16xf32>
      %add3A_438 = arith.addf %mul3A_435, %mul3A_437 : vector<16xf32>
      %gather3A_439 = tpu.vector_load_idx %arg5[%add3A_408] : memref<4096xf32, #tpu.memory_space<vmem>>[vector<16xi32>], vector<16xf32>,
      %mul3A_440 = arith.mulf %gather3A_439, %mul3A_429 : vector<16xf32>
      %add3A_441 = arith.addf %add3A_438, %mul3A_440 : vector<16xf32>
      %gather3A_442 = tpu.vector_load_idx %arg5[%add3A_409] : memref<4096xf32, #tpu.memory_space<vmem>>[vector<16xi32>], vector<16xf32>,
      %mul3A_443 = arith.mulf %gather3A_442, %mul3A_430 : vector<16xf32>
      %add3A_444 = arith.addf %add3A_441, %mul3A_443 : vector<16xf32>
      %gather3A_445 = tpu.vector_load_idx %arg5[%add3A_410] : memref<4096xf32, #tpu.memory_space<vmem>>[vector<16xi32>], vector<16xf32>,
      %mul3A_446 = arith.mulf %gather3A_445, %mul3A_431 : vector<16xf32>
      %add3A_447 = arith.addf %add3A_444, %mul3A_446 : vector<16xf32>
      %gather3A_448 = tpu.vector_load_idx %arg5[%add3A_411] : memref<4096xf32, #tpu.memory_space<vmem>>[vector<16xi32>], vector<16xf32>,
      %mul3A_449 = arith.mulf %gather3A_448, %mul3A_432 : vector<16xf32>
      %add3A_450 = arith.addf %add3A_447, %mul3A_449 : vector<16xf32>
      %gather3A_451 = tpu.vector_load_idx %arg5[%add3A_412] : memref<4096xf32, #tpu.memory_space<vmem>>[vector<16xi32>], vector<16xf32>,
      %mul3A_452 = arith.mulf %gather3A_451, %mul3A_433 : vector<16xf32>
      %add3A_453 = arith.addf %add3A_450, %mul3A_452 : vector<16xf32>
      %gather3A_454 = tpu.vector_load_idx %arg5[%add3A_413] : memref<4096xf32, #tpu.memory_space<vmem>>[vector<16xi32>], vector<16xf32>,
      %mul3A_455 = arith.mulf %gather3A_454, %mul3A_434 : vector<16xf32>
      %add3A_456 = arith.addf %add3A_453, %mul3A_455 : vector<16xf32>
      %swap3A = arith.index_cast %mul3A_358 : i32 to index
      %swap3A_457 = tpu.vector_load %arg14[%swap3A] {strides = array<i32>} : memref<8192xf32, #tpu.memory_space<vmem>>, vector<16xf32>,
      tpu.vector_store %arg14[%swap3A], %add3A_456 {strides = array<i32>} : memref<8192xf32, #tpu.memory_space<vmem>>, vector<16xf32>,
      %gather3A_458 = tpu.vector_load_idx %arg6[%add3A_406] : memref<4096xf32, #tpu.memory_space<vmem>>[vector<16xi32>], vector<16xf32>,
      %mul3A_459 = arith.mulf %gather3A_458, %mul3A_427 : vector<16xf32>
      %gather3A_460 = tpu.vector_load_idx %arg6[%add3A_407] : memref<4096xf32, #tpu.memory_space<vmem>>[vector<16xi32>], vector<16xf32>,
      %mul3A_461 = arith.mulf %gather3A_460, %mul3A_428 : vector<16xf32>
      %add3A_462 = arith.addf %mul3A_459, %mul3A_461 : vector<16xf32>
      %gather3A_463 = tpu.vector_load_idx %arg6[%add3A_408] : memref<4096xf32, #tpu.memory_space<vmem>>[vector<16xi32>], vector<16xf32>,
      %mul3A_464 = arith.mulf %gather3A_463, %mul3A_429 : vector<16xf32>
      %add3A_465 = arith.addf %add3A_462, %mul3A_464 : vector<16xf32>
      %gather3A_466 = tpu.vector_load_idx %arg6[%add3A_409] : memref<4096xf32, #tpu.memory_space<vmem>>[vector<16xi32>], vector<16xf32>,
      %mul3A_467 = arith.mulf %gather3A_466, %mul3A_430 : vector<16xf32>
      %add3A_468 = arith.addf %add3A_465, %mul3A_467 : vector<16xf32>
      %gather3A_469 = tpu.vector_load_idx %arg6[%add3A_410] : memref<4096xf32, #tpu.memory_space<vmem>>[vector<16xi32>], vector<16xf32>,
      %mul3A_470 = arith.mulf %gather3A_469, %mul3A_431 : vector<16xf32>
      %add3A_471 = arith.addf %add3A_468, %mul3A_470 : vector<16xf32>
      %gather3A_472 = tpu.vector_load_idx %arg6[%add3A_411] : memref<4096xf32, #tpu.memory_space<vmem>>[vector<16xi32>], vector<16xf32>,
      %mul3A_473 = arith.mulf %gather3A_472, %mul3A_432 : vector<16xf32>
      %add3A_474 = arith.addf %add3A_471, %mul3A_473 : vector<16xf32>
      %gather3A_475 = tpu.vector_load_idx %arg6[%add3A_412] : memref<4096xf32, #tpu.memory_space<vmem>>[vector<16xi32>], vector<16xf32>,
      %mul3A_476 = arith.mulf %gather3A_475, %mul3A_433 : vector<16xf32>
      %add3A_477 = arith.addf %add3A_474, %mul3A_476 : vector<16xf32>
      %gather3A_478 = tpu.vector_load_idx %arg6[%add3A_413] : memref<4096xf32, #tpu.memory_space<vmem>>[vector<16xi32>], vector<16xf32>,
      %mul3A_479 = arith.mulf %gather3A_478, %mul3A_434 : vector<16xf32>
      %add3A_480 = arith.addf %add3A_477, %mul3A_479 : vector<16xf32>
      %swap3A_481 = arith.index_cast %mul3A_358 : i32 to index
      %swap3A_482 = tpu.vector_load %arg15[%swap3A_481] {strides = array<i32>} : memref<8192xf32, #tpu.memory_space<vmem>>, vector<16xf32>,
      tpu.vector_store %arg15[%swap3A_481], %add3A_480 {strides = array<i32>} : memref<8192xf32, #tpu.memory_space<vmem>>, vector<16xf32>,
      %gather3A_483 = tpu.vector_load_idx %arg7[%add3A_406] : memref<4096xf32, #tpu.memory_space<vmem>>[vector<16xi32>], vector<16xf32>,
      %mul3A_484 = arith.mulf %gather3A_483, %mul3A_427 : vector<16xf32>
      %gather3A_485 = tpu.vector_load_idx %arg7[%add3A_407] : memref<4096xf32, #tpu.memory_space<vmem>>[vector<16xi32>], vector<16xf32>,
      %mul3A_486 = arith.mulf %gather3A_485, %mul3A_428 : vector<16xf32>
      %add3A_487 = arith.addf %mul3A_484, %mul3A_486 : vector<16xf32>
      %gather3A_488 = tpu.vector_load_idx %arg7[%add3A_408] : memref<4096xf32, #tpu.memory_space<vmem>>[vector<16xi32>], vector<16xf32>,
      %mul3A_489 = arith.mulf %gather3A_488, %mul3A_429 : vector<16xf32>
      %add3A_490 = arith.addf %add3A_487, %mul3A_489 : vector<16xf32>
      %gather3A_491 = tpu.vector_load_idx %arg7[%add3A_409] : memref<4096xf32, #tpu.memory_space<vmem>>[vector<16xi32>], vector<16xf32>,
      %mul3A_492 = arith.mulf %gather3A_491, %mul3A_430 : vector<16xf32>
      %add3A_493 = arith.addf %add3A_490, %mul3A_492 : vector<16xf32>
      %gather3A_494 = tpu.vector_load_idx %arg7[%add3A_410] : memref<4096xf32, #tpu.memory_space<vmem>>[vector<16xi32>], vector<16xf32>,
      %mul3A_495 = arith.mulf %gather3A_494, %mul3A_431 : vector<16xf32>
      %add3A_496 = arith.addf %add3A_493, %mul3A_495 : vector<16xf32>
      %gather3A_497 = tpu.vector_load_idx %arg7[%add3A_411] : memref<4096xf32, #tpu.memory_space<vmem>>[vector<16xi32>], vector<16xf32>,
      %mul3A_498 = arith.mulf %gather3A_497, %mul3A_432 : vector<16xf32>
      %add3A_499 = arith.addf %add3A_496, %mul3A_498 : vector<16xf32>
      %gather3A_500 = tpu.vector_load_idx %arg7[%add3A_412] : memref<4096xf32, #tpu.memory_space<vmem>>[vector<16xi32>], vector<16xf32>,
      %mul3A_501 = arith.mulf %gather3A_500, %mul3A_433 : vector<16xf32>
      %add3A_502 = arith.addf %add3A_499, %mul3A_501 : vector<16xf32>
      %gather3A_503 = tpu.vector_load_idx %arg7[%add3A_413] : memref<4096xf32, #tpu.memory_space<vmem>>[vector<16xi32>], vector<16xf32>,
      %mul3A_504 = arith.mulf %gather3A_503, %mul3A_434 : vector<16xf32>
      %add3A_505 = arith.addf %add3A_502, %mul3A_504 : vector<16xf32>
      %swap3A_506 = arith.index_cast %mul3A_358 : i32 to index
      %swap3A_507 = tpu.vector_load %arg16[%swap3A_506] {strides = array<i32>} : memref<8192xf32, #tpu.memory_space<vmem>>, vector<16xf32>,
      tpu.vector_store %arg16[%swap3A_506], %add3A_505 {strides = array<i32>} : memref<8192xf32, #tpu.memory_space<vmem>>, vector<16xf32>,
    }
    %scan3A_264 = arith.constant 512 : i32
    %mul3A_265 = arith.constant 32768 : i32
    %mul3A_266 = arith.muli %select_n3A_30, %mul3A_265 : i32
    %add3A_267 = arith.constant 16384 : i32
    %add3A_268 = arith.addi %mul3A_266, %add3A_267 : i32
    %mul3A_269 = arith.constant 3 : i32
    %mul3A_270 = arith.muli %select_n3A, %mul3A_269 : i32
    %add3A_271 = arith.constant 0 : i32
    %add3A_272 = arith.addi %mul3A_270, %add3A_271 : i32
    %mul3A_273 = arith.constant 262144 : i32
    %mul3A_274 = arith.muli %add3A_272, %mul3A_273 : i32
    %add3A_275 = arith.addi %mul3A_274, %add3A_268 : i32
    %dma_start3A_276 = tpu.memref_slice %arg4[%add3A_275] : memref<3145728xf32, #tpu.memory_space<hbm>> -> memref<8192xf32, #tpu.memory_space<hbm>>
    %dma_start3A_277 = tpu.memref_slice %arg4[%add3A_275] : memref<3145728xf32, #tpu.memory_space<hbm>> -> memref<8192xf32, #tpu.memory_space<hbm>>
    tpu.enqueue_dma source(%arg14 : memref<8192xf32, #tpu.memory_space<vmem>>) target(%dma_start3A_277 : memref<8192xf32, #tpu.memory_space<hbm>>) target_semaphore(%arg22 : memref<!tpu.dma_semaphore, #tpu.memory_space<semaphore_mem>>)
    %mul3A_278 = arith.constant 3 : i32
    %mul3A_279 = arith.muli %select_n3A, %mul3A_278 : i32
    %add3A_280 = arith.constant 1 : i32
    %add3A_281 = arith.addi %mul3A_279, %add3A_280 : i32
    %mul3A_282 = arith.constant 262144 : i32
    %mul3A_283 = arith.muli %add3A_281, %mul3A_282 : i32
    %add3A_284 = arith.addi %mul3A_283, %add3A_268 : i32
    %dma_start3A_285 = tpu.memref_slice %arg4[%add3A_284] : memref<3145728xf32, #tpu.memory_space<hbm>> -> memref<8192xf32, #tpu.memory_space<hbm>>
    %dma_start3A_286 = tpu.memref_slice %arg4[%add3A_284] : memref<3145728xf32, #tpu.memory_space<hbm>> -> memref<8192xf32, #tpu.memory_space<hbm>>
    tpu.enqueue_dma source(%arg15 : memref<8192xf32, #tpu.memory_space<vmem>>) target(%dma_start3A_286 : memref<8192xf32, #tpu.memory_space<hbm>>) target_semaphore(%arg22 : memref<!tpu.dma_semaphore, #tpu.memory_space<semaphore_mem>>)
    %mul3A_287 = arith.constant 3 : i32
    %mul3A_288 = arith.muli %select_n3A, %mul3A_287 : i32
    %add3A_289 = arith.constant 2 : i32
    %add3A_290 = arith.addi %mul3A_288, %add3A_289 : i32
    %mul3A_291 = arith.constant 262144 : i32
    %mul3A_292 = arith.muli %add3A_290, %mul3A_291 : i32
    %add3A_293 = arith.addi %mul3A_292, %add3A_268 : i32
    %dma_start3A_294 = tpu.memref_slice %arg4[%add3A_293] : memref<3145728xf32, #tpu.memory_space<hbm>> -> memref<8192xf32, #tpu.memory_space<hbm>>
    %dma_start3A_295 = tpu.memref_slice %arg4[%add3A_293] : memref<3145728xf32, #tpu.memory_space<hbm>> -> memref<8192xf32, #tpu.memory_space<hbm>>
    tpu.enqueue_dma source(%arg16 : memref<8192xf32, #tpu.memory_space<vmem>>) target(%dma_start3A_295 : memref<8192xf32, #tpu.memory_space<hbm>>) target_semaphore(%arg22 : memref<!tpu.dma_semaphore, #tpu.memory_space<semaphore_mem>>)
    %dma_wait3A_296 = tpu.memref_slice %arg3[%add3A_227] : memref<3145728xf32, #tpu.memory_space<hbm>> -> memref<8192xf32, #tpu.memory_space<hbm>>
    %dma_wait3A_297 = tpu.memref_slice %arg3[%add3A_227] : memref<3145728xf32, #tpu.memory_space<hbm>> -> memref<8192xf32, #tpu.memory_space<hbm>>
    tpu.wait_dma2 semaphore(%arg21 : memref<!tpu.dma_semaphore, #tpu.memory_space<semaphore_mem>>) src(%dma_wait3A_297 : memref<8192xf32, #tpu.memory_space<hbm>>) dst(%arg11 : memref<8192xf32, #tpu.memory_space<vmem>>)
    %dma_wait3A_298 = tpu.memref_slice %arg3[%add3A_236] : memref<3145728xf32, #tpu.memory_space<hbm>> -> memref<8192xf32, #tpu.memory_space<hbm>>
    %dma_wait3A_299 = tpu.memref_slice %arg3[%add3A_236] : memref<3145728xf32, #tpu.memory_space<hbm>> -> memref<8192xf32, #tpu.memory_space<hbm>>
    tpu.wait_dma2 semaphore(%arg21 : memref<!tpu.dma_semaphore, #tpu.memory_space<semaphore_mem>>) src(%dma_wait3A_299 : memref<8192xf32, #tpu.memory_space<hbm>>) dst(%arg12 : memref<8192xf32, #tpu.memory_space<vmem>>)
    %dma_wait3A_300 = tpu.memref_slice %arg3[%add3A_245] : memref<3145728xf32, #tpu.memory_space<hbm>> -> memref<8192xf32, #tpu.memory_space<hbm>>
    %dma_wait3A_301 = tpu.memref_slice %arg3[%add3A_245] : memref<3145728xf32, #tpu.memory_space<hbm>> -> memref<8192xf32, #tpu.memory_space<hbm>>
    tpu.wait_dma2 semaphore(%arg21 : memref<!tpu.dma_semaphore, #tpu.memory_space<semaphore_mem>>) src(%dma_wait3A_301 : memref<8192xf32, #tpu.memory_space<hbm>>) dst(%arg13 : memref<8192xf32, #tpu.memory_space<vmem>>)
    %dma_wait3A_302 = tpu.memref_slice %arg4[%add3A_196] : memref<3145728xf32, #tpu.memory_space<hbm>> -> memref<8192xf32, #tpu.memory_space<hbm>>
    %dma_wait3A_303 = tpu.memref_slice %arg4[%add3A_196] : memref<3145728xf32, #tpu.memory_space<hbm>> -> memref<8192xf32, #tpu.memory_space<hbm>>
    tpu.wait_dma2 semaphore(%arg23 : memref<!tpu.dma_semaphore, #tpu.memory_space<semaphore_mem>>) src(%arg17 : memref<8192xf32, #tpu.memory_space<vmem>>) dst(%dma_wait3A_303 : memref<8192xf32, #tpu.memory_space<hbm>>)
    %dma_wait3A_304 = tpu.memref_slice %arg4[%add3A_205] : memref<3145728xf32, #tpu.memory_space<hbm>> -> memref<8192xf32, #tpu.memory_space<hbm>>
    %dma_wait3A_305 = tpu.memref_slice %arg4[%add3A_205] : memref<3145728xf32, #tpu.memory_space<hbm>> -> memref<8192xf32, #tpu.memory_space<hbm>>
    tpu.wait_dma2 semaphore(%arg23 : memref<!tpu.dma_semaphore, #tpu.memory_space<semaphore_mem>>) src(%arg18 : memref<8192xf32, #tpu.memory_space<vmem>>) dst(%dma_wait3A_305 : memref<8192xf32, #tpu.memory_space<hbm>>)
    %dma_wait3A_306 = tpu.memref_slice %arg4[%add3A_214] : memref<3145728xf32, #tpu.memory_space<hbm>> -> memref<8192xf32, #tpu.memory_space<hbm>>
    %dma_wait3A_307 = tpu.memref_slice %arg4[%add3A_214] : memref<3145728xf32, #tpu.memory_space<hbm>> -> memref<8192xf32, #tpu.memory_space<hbm>>
    tpu.wait_dma2 semaphore(%arg23 : memref<!tpu.dma_semaphore, #tpu.memory_space<semaphore_mem>>) src(%arg19 : memref<8192xf32, #tpu.memory_space<vmem>>) dst(%dma_wait3A_307 : memref<8192xf32, #tpu.memory_space<hbm>>)
    %scan3A_308 = arith.constant 0 : i32
    %scan3A_309 = arith.constant 512 : i32
    %scan3A_310 = arith.addi %scan3A_308, %scan3A_309 : i32
    %scan3A_311 = arith.constant 1 : i32
    scf.for %scan3A_356 = %scan3A_308 to %scan3A_310 step %scan3A_311  : i32 {
      %mul3A_357 = arith.constant 16 : i32
      %mul3A_358 = arith.muli %scan3A_356, %mul3A_357 : i32
      %get3A = arith.index_cast %mul3A_358 : i32 to index
      %get3A_359 = tpu.vector_load %arg11[%get3A] {strides = array<i32>} : memref<8192xf32, #tpu.memory_space<vmem>>, vector<16xf32>,
      %get3A_360 = arith.index_cast %mul3A_358 : i32 to index
      %get3A_361 = tpu.vector_load %arg12[%get3A_360] {strides = array<i32>} : memref<8192xf32, #tpu.memory_space<vmem>>, vector<16xf32>,
      %get3A_362 = arith.index_cast %mul3A_358 : i32 to index
      %get3A_363 = tpu.vector_load %arg13[%get3A_362] {strides = array<i32>} : memref<8192xf32, #tpu.memory_space<vmem>>, vector<16xf32>,
      %mul3A_364 = arith.constant 1.500000e+01 : f32
      %mul3A_365 = vector.broadcast %mul3A_364 : f32 to vector<16xf32>
      %mul3A_366 = arith.mulf %get3A_359, %mul3A_365 : vector<16xf32>
      %convert_element_type3A = arith.fptosi %mul3A_366 : vector<16xf32> to vector<16xi32>
      %convert_element_type3A_367 = arith.sitofp %convert_element_type3A : vector<16xi32> to vector<16xf32>
      %sub3A_368 = arith.subf %mul3A_366, %convert_element_type3A_367 : vector<16xf32>
      %add3A_369 = arith.constant 1 : i32
      %add3A_370 = vector.broadcast %add3A_369 : i32 to vector<16xi32>
      %add3A_371 = arith.addi %convert_element_type3A, %add3A_370 : vector<16xi32>
      %mul3A_372 = arith.constant 1.500000e+01 : f32
      %mul3A_373 = vector.broadcast %mul3A_372 : f32 to vector<16xf32>
      %mul3A_374 = arith.mulf %get3A_361, %mul3A_373 : vector<16xf32>
      %convert_element_type3A_375 = arith.fptosi %mul3A_374 : vector<16xf32> to vector<16xi32>
      %convert_element_type3A_376 = arith.sitofp %convert_element_type3A_375 : vector<16xi32> to vector<16xf32>
      %sub3A_377 = arith.subf %mul3A_374, %convert_element_type3A_376 : vector<16xf32>
      %add3A_378 = arith.constant 1 : i32
      %add3A_379 = vector.broadcast %add3A_378 : i32 to vector<16xi32>
      %add3A_380 = arith.addi %convert_element_type3A_375, %add3A_379 : vector<16xi32>
      %mul3A_381 = arith.constant 1.500000e+01 : f32
      %mul3A_382 = vector.broadcast %mul3A_381 : f32 to vector<16xf32>
      %mul3A_383 = arith.mulf %get3A_363, %mul3A_382 : vector<16xf32>
      %convert_element_type3A_384 = arith.fptosi %mul3A_383 : vector<16xf32> to vector<16xi32>
      %convert_element_type3A_385 = arith.sitofp %convert_element_type3A_384 : vector<16xi32> to vector<16xf32>
      %sub3A_386 = arith.subf %mul3A_383, %convert_element_type3A_385 : vector<16xf32>
      %add3A_387 = arith.constant 1 : i32
      %add3A_388 = vector.broadcast %add3A_387 : i32 to vector<16xi32>
      %add3A_389 = arith.addi %convert_element_type3A_384, %add3A_388 : vector<16xi32>
      %mul3A_390 = arith.constant 256 : i32
      %mul3A_391 = vector.broadcast %mul3A_390 : i32 to vector<16xi32>
      %mul3A_392 = arith.muli %convert_element_type3A, %mul3A_391 : vector<16xi32>
      %mul3A_393 = arith.constant 256 : i32
      %mul3A_394 = vector.broadcast %mul3A_393 : i32 to vector<16xi32>
      %mul3A_395 = arith.muli %add3A_371, %mul3A_394 : vector<16xi32>
      %mul3A_396 = arith.constant 16 : i32
      %mul3A_397 = vector.broadcast %mul3A_396 : i32 to vector<16xi32>
      %mul3A_398 = arith.muli %convert_element_type3A_375, %mul3A_397 : vector<16xi32>
      %mul3A_399 = arith.constant 16 : i32
      %mul3A_400 = vector.broadcast %mul3A_399 : i32 to vector<16xi32>
      %mul3A_401 = arith.muli %add3A_380, %mul3A_400 : vector<16xi32>
      %add3A_402 = arith.addi %mul3A_392, %mul3A_398 : vector<16xi32>
      %add3A_403 = arith.addi %mul3A_392, %mul3A_401 : vector<16xi32>
      %add3A_404 = arith.addi %mul3A_395, %mul3A_398 : vector<16xi32>
      %add3A_405 = arith.addi %mul3A_395, %mul3A_401 : vector<16xi32>
      %add3A_406 = arith.addi %add3A_402, %convert_element_type3A_384 : vector<16xi32>
      %add3A_407 = arith.addi %add3A_402, %add3A_389 : vector<16xi32>
      %add3A_408 = arith.addi %add3A_403, %convert_element_type3A_384 : vector<16xi32>
      %add3A_409 = arith.addi %add3A_403, %add3A_389 : vector<16xi32>
      %add3A_410 = arith.addi %add3A_404, %convert_element_type3A_384 : vector<16xi32>
      %add3A_411 = arith.addi %add3A_404, %add3A_389 : vector<16xi32>
      %add3A_412 = arith.addi %add3A_405, %convert_element_type3A_384 : vector<16xi32>
      %add3A_413 = arith.addi %add3A_405, %add3A_389 : vector<16xi32>
      %sub3A_414 = arith.constant 1.000000e+00 : f32
      %sub3A_415 = vector.broadcast %sub3A_414 : f32 to vector<16xf32>
      %sub3A_416 = arith.subf %sub3A_415, %sub3A_368 : vector<16xf32>
      %sub3A_417 = arith.constant 1.000000e+00 : f32
      %sub3A_418 = vector.broadcast %sub3A_417 : f32 to vector<16xf32>
      %sub3A_419 = arith.subf %sub3A_418, %sub3A_377 : vector<16xf32>
      %sub3A_420 = arith.constant 1.000000e+00 : f32
      %sub3A_421 = vector.broadcast %sub3A_420 : f32 to vector<16xf32>
      %sub3A_422 = arith.subf %sub3A_421, %sub3A_386 : vector<16xf32>
      %mul3A_423 = arith.mulf %sub3A_416, %sub3A_419 : vector<16xf32>
      %mul3A_424 = arith.mulf %sub3A_416, %sub3A_377 : vector<16xf32>
      %mul3A_425 = arith.mulf %sub3A_368, %sub3A_419 : vector<16xf32>
      %mul3A_426 = arith.mulf %sub3A_368, %sub3A_377 : vector<16xf32>
      %mul3A_427 = arith.mulf %mul3A_423, %sub3A_422 : vector<16xf32>
      %mul3A_428 = arith.mulf %mul3A_423, %sub3A_386 : vector<16xf32>
      %mul3A_429 = arith.mulf %mul3A_424, %sub3A_422 : vector<16xf32>
      %mul3A_430 = arith.mulf %mul3A_424, %sub3A_386 : vector<16xf32>
      %mul3A_431 = arith.mulf %mul3A_425, %sub3A_422 : vector<16xf32>
      %mul3A_432 = arith.mulf %mul3A_425, %sub3A_386 : vector<16xf32>
      %mul3A_433 = arith.mulf %mul3A_426, %sub3A_422 : vector<16xf32>
      %mul3A_434 = arith.mulf %mul3A_426, %sub3A_386 : vector<16xf32>
      %gather3A = tpu.vector_load_idx %arg5[%add3A_406] : memref<4096xf32, #tpu.memory_space<vmem>>[vector<16xi32>], vector<16xf32>,
      %mul3A_435 = arith.mulf %gather3A, %mul3A_427 : vector<16xf32>
      %gather3A_436 = tpu.vector_load_idx %arg5[%add3A_407] : memref<4096xf32, #tpu.memory_space<vmem>>[vector<16xi32>], vector<16xf32>,
      %mul3A_437 = arith.mulf %gather3A_436, %mul3A_428 : vector<16xf32>
      %add3A_438 = arith.addf %mul3A_435, %mul3A_437 : vector<16xf32>
      %gather3A_439 = tpu.vector_load_idx %arg5[%add3A_408] : memref<4096xf32, #tpu.memory_space<vmem>>[vector<16xi32>], vector<16xf32>,
      %mul3A_440 = arith.mulf %gather3A_439, %mul3A_429 : vector<16xf32>
      %add3A_441 = arith.addf %add3A_438, %mul3A_440 : vector<16xf32>
      %gather3A_442 = tpu.vector_load_idx %arg5[%add3A_409] : memref<4096xf32, #tpu.memory_space<vmem>>[vector<16xi32>], vector<16xf32>,
      %mul3A_443 = arith.mulf %gather3A_442, %mul3A_430 : vector<16xf32>
      %add3A_444 = arith.addf %add3A_441, %mul3A_443 : vector<16xf32>
      %gather3A_445 = tpu.vector_load_idx %arg5[%add3A_410] : memref<4096xf32, #tpu.memory_space<vmem>>[vector<16xi32>], vector<16xf32>,
      %mul3A_446 = arith.mulf %gather3A_445, %mul3A_431 : vector<16xf32>
      %add3A_447 = arith.addf %add3A_444, %mul3A_446 : vector<16xf32>
      %gather3A_448 = tpu.vector_load_idx %arg5[%add3A_411] : memref<4096xf32, #tpu.memory_space<vmem>>[vector<16xi32>], vector<16xf32>,
      %mul3A_449 = arith.mulf %gather3A_448, %mul3A_432 : vector<16xf32>
      %add3A_450 = arith.addf %add3A_447, %mul3A_449 : vector<16xf32>
      %gather3A_451 = tpu.vector_load_idx %arg5[%add3A_412] : memref<4096xf32, #tpu.memory_space<vmem>>[vector<16xi32>], vector<16xf32>,
      %mul3A_452 = arith.mulf %gather3A_451, %mul3A_433 : vector<16xf32>
      %add3A_453 = arith.addf %add3A_450, %mul3A_452 : vector<16xf32>
      %gather3A_454 = tpu.vector_load_idx %arg5[%add3A_413] : memref<4096xf32, #tpu.memory_space<vmem>>[vector<16xi32>], vector<16xf32>,
      %mul3A_455 = arith.mulf %gather3A_454, %mul3A_434 : vector<16xf32>
      %add3A_456 = arith.addf %add3A_453, %mul3A_455 : vector<16xf32>
      %swap3A = arith.index_cast %mul3A_358 : i32 to index
      %swap3A_457 = tpu.vector_load %arg17[%swap3A] {strides = array<i32>} : memref<8192xf32, #tpu.memory_space<vmem>>, vector<16xf32>,
      tpu.vector_store %arg17[%swap3A], %add3A_456 {strides = array<i32>} : memref<8192xf32, #tpu.memory_space<vmem>>, vector<16xf32>,
      %gather3A_458 = tpu.vector_load_idx %arg6[%add3A_406] : memref<4096xf32, #tpu.memory_space<vmem>>[vector<16xi32>], vector<16xf32>,
      %mul3A_459 = arith.mulf %gather3A_458, %mul3A_427 : vector<16xf32>
      %gather3A_460 = tpu.vector_load_idx %arg6[%add3A_407] : memref<4096xf32, #tpu.memory_space<vmem>>[vector<16xi32>], vector<16xf32>,
      %mul3A_461 = arith.mulf %gather3A_460, %mul3A_428 : vector<16xf32>
      %add3A_462 = arith.addf %mul3A_459, %mul3A_461 : vector<16xf32>
      %gather3A_463 = tpu.vector_load_idx %arg6[%add3A_408] : memref<4096xf32, #tpu.memory_space<vmem>>[vector<16xi32>], vector<16xf32>,
      %mul3A_464 = arith.mulf %gather3A_463, %mul3A_429 : vector<16xf32>
      %add3A_465 = arith.addf %add3A_462, %mul3A_464 : vector<16xf32>
      %gather3A_466 = tpu.vector_load_idx %arg6[%add3A_409] : memref<4096xf32, #tpu.memory_space<vmem>>[vector<16xi32>], vector<16xf32>,
      %mul3A_467 = arith.mulf %gather3A_466, %mul3A_430 : vector<16xf32>
      %add3A_468 = arith.addf %add3A_465, %mul3A_467 : vector<16xf32>
      %gather3A_469 = tpu.vector_load_idx %arg6[%add3A_410] : memref<4096xf32, #tpu.memory_space<vmem>>[vector<16xi32>], vector<16xf32>,
      %mul3A_470 = arith.mulf %gather3A_469, %mul3A_431 : vector<16xf32>
      %add3A_471 = arith.addf %add3A_468, %mul3A_470 : vector<16xf32>
      %gather3A_472 = tpu.vector_load_idx %arg6[%add3A_411] : memref<4096xf32, #tpu.memory_space<vmem>>[vector<16xi32>], vector<16xf32>,
      %mul3A_473 = arith.mulf %gather3A_472, %mul3A_432 : vector<16xf32>
      %add3A_474 = arith.addf %add3A_471, %mul3A_473 : vector<16xf32>
      %gather3A_475 = tpu.vector_load_idx %arg6[%add3A_412] : memref<4096xf32, #tpu.memory_space<vmem>>[vector<16xi32>], vector<16xf32>,
      %mul3A_476 = arith.mulf %gather3A_475, %mul3A_433 : vector<16xf32>
      %add3A_477 = arith.addf %add3A_474, %mul3A_476 : vector<16xf32>
      %gather3A_478 = tpu.vector_load_idx %arg6[%add3A_413] : memref<4096xf32, #tpu.memory_space<vmem>>[vector<16xi32>], vector<16xf32>,
      %mul3A_479 = arith.mulf %gather3A_478, %mul3A_434 : vector<16xf32>
      %add3A_480 = arith.addf %add3A_477, %mul3A_479 : vector<16xf32>
      %swap3A_481 = arith.index_cast %mul3A_358 : i32 to index
      %swap3A_482 = tpu.vector_load %arg18[%swap3A_481] {strides = array<i32>} : memref<8192xf32, #tpu.memory_space<vmem>>, vector<16xf32>,
      tpu.vector_store %arg18[%swap3A_481], %add3A_480 {strides = array<i32>} : memref<8192xf32, #tpu.memory_space<vmem>>, vector<16xf32>,
      %gather3A_483 = tpu.vector_load_idx %arg7[%add3A_406] : memref<4096xf32, #tpu.memory_space<vmem>>[vector<16xi32>], vector<16xf32>,
      %mul3A_484 = arith.mulf %gather3A_483, %mul3A_427 : vector<16xf32>
      %gather3A_485 = tpu.vector_load_idx %arg7[%add3A_407] : memref<4096xf32, #tpu.memory_space<vmem>>[vector<16xi32>], vector<16xf32>,
      %mul3A_486 = arith.mulf %gather3A_485, %mul3A_428 : vector<16xf32>
      %add3A_487 = arith.addf %mul3A_484, %mul3A_486 : vector<16xf32>
      %gather3A_488 = tpu.vector_load_idx %arg7[%add3A_408] : memref<4096xf32, #tpu.memory_space<vmem>>[vector<16xi32>], vector<16xf32>,
      %mul3A_489 = arith.mulf %gather3A_488, %mul3A_429 : vector<16xf32>
      %add3A_490 = arith.addf %add3A_487, %mul3A_489 : vector<16xf32>
      %gather3A_491 = tpu.vector_load_idx %arg7[%add3A_409] : memref<4096xf32, #tpu.memory_space<vmem>>[vector<16xi32>], vector<16xf32>,
      %mul3A_492 = arith.mulf %gather3A_491, %mul3A_430 : vector<16xf32>
      %add3A_493 = arith.addf %add3A_490, %mul3A_492 : vector<16xf32>
      %gather3A_494 = tpu.vector_load_idx %arg7[%add3A_410] : memref<4096xf32, #tpu.memory_space<vmem>>[vector<16xi32>], vector<16xf32>,
      %mul3A_495 = arith.mulf %gather3A_494, %mul3A_431 : vector<16xf32>
      %add3A_496 = arith.addf %add3A_493, %mul3A_495 : vector<16xf32>
      %gather3A_497 = tpu.vector_load_idx %arg7[%add3A_411] : memref<4096xf32, #tpu.memory_space<vmem>>[vector<16xi32>], vector<16xf32>,
      %mul3A_498 = arith.mulf %gather3A_497, %mul3A_432 : vector<16xf32>
      %add3A_499 = arith.addf %add3A_496, %mul3A_498 : vector<16xf32>
      %gather3A_500 = tpu.vector_load_idx %arg7[%add3A_412] : memref<4096xf32, #tpu.memory_space<vmem>>[vector<16xi32>], vector<16xf32>,
      %mul3A_501 = arith.mulf %gather3A_500, %mul3A_433 : vector<16xf32>
      %add3A_502 = arith.addf %add3A_499, %mul3A_501 : vector<16xf32>
      %gather3A_503 = tpu.vector_load_idx %arg7[%add3A_413] : memref<4096xf32, #tpu.memory_space<vmem>>[vector<16xi32>], vector<16xf32>,
      %mul3A_504 = arith.mulf %gather3A_503, %mul3A_434 : vector<16xf32>
      %add3A_505 = arith.addf %add3A_502, %mul3A_504 : vector<16xf32>
      %swap3A_506 = arith.index_cast %mul3A_358 : i32 to index
      %swap3A_507 = tpu.vector_load %arg19[%swap3A_506] {strides = array<i32>} : memref<8192xf32, #tpu.memory_space<vmem>>, vector<16xf32>,
      tpu.vector_store %arg19[%swap3A_506], %add3A_505 {strides = array<i32>} : memref<8192xf32, #tpu.memory_space<vmem>>, vector<16xf32>,
    }
    %scan3A_312 = arith.constant 512 : i32
    %mul3A_313 = arith.constant 32768 : i32
    %mul3A_314 = arith.muli %select_n3A_30, %mul3A_313 : i32
    %add3A_315 = arith.constant 24576 : i32
    %add3A_316 = arith.addi %mul3A_314, %add3A_315 : i32
    %mul3A_317 = arith.constant 3 : i32
    %mul3A_318 = arith.muli %select_n3A, %mul3A_317 : i32
    %add3A_319 = arith.constant 0 : i32
    %add3A_320 = arith.addi %mul3A_318, %add3A_319 : i32
    %mul3A_321 = arith.constant 262144 : i32
    %mul3A_322 = arith.muli %add3A_320, %mul3A_321 : i32
    %add3A_323 = arith.addi %mul3A_322, %add3A_316 : i32
    %dma_start3A_324 = tpu.memref_slice %arg4[%add3A_323] : memref<3145728xf32, #tpu.memory_space<hbm>> -> memref<8192xf32, #tpu.memory_space<hbm>>
    %dma_start3A_325 = tpu.memref_slice %arg4[%add3A_323] : memref<3145728xf32, #tpu.memory_space<hbm>> -> memref<8192xf32, #tpu.memory_space<hbm>>
    tpu.enqueue_dma source(%arg17 : memref<8192xf32, #tpu.memory_space<vmem>>) target(%dma_start3A_325 : memref<8192xf32, #tpu.memory_space<hbm>>) target_semaphore(%arg23 : memref<!tpu.dma_semaphore, #tpu.memory_space<semaphore_mem>>)
    %mul3A_326 = arith.constant 3 : i32
    %mul3A_327 = arith.muli %select_n3A, %mul3A_326 : i32
    %add3A_328 = arith.constant 1 : i32
    %add3A_329 = arith.addi %mul3A_327, %add3A_328 : i32
    %mul3A_330 = arith.constant 262144 : i32
    %mul3A_331 = arith.muli %add3A_329, %mul3A_330 : i32
    %add3A_332 = arith.addi %mul3A_331, %add3A_316 : i32
    %dma_start3A_333 = tpu.memref_slice %arg4[%add3A_332] : memref<3145728xf32, #tpu.memory_space<hbm>> -> memref<8192xf32, #tpu.memory_space<hbm>>
    %dma_start3A_334 = tpu.memref_slice %arg4[%add3A_332] : memref<3145728xf32, #tpu.memory_space<hbm>> -> memref<8192xf32, #tpu.memory_space<hbm>>
    tpu.enqueue_dma source(%arg18 : memref<8192xf32, #tpu.memory_space<vmem>>) target(%dma_start3A_334 : memref<8192xf32, #tpu.memory_space<hbm>>) target_semaphore(%arg23 : memref<!tpu.dma_semaphore, #tpu.memory_space<semaphore_mem>>)
    %mul3A_335 = arith.constant 3 : i32
    %mul3A_336 = arith.muli %select_n3A, %mul3A_335 : i32
    %add3A_337 = arith.constant 2 : i32
    %add3A_338 = arith.addi %mul3A_336, %add3A_337 : i32
    %mul3A_339 = arith.constant 262144 : i32
    %mul3A_340 = arith.muli %add3A_338, %mul3A_339 : i32
    %add3A_341 = arith.addi %mul3A_340, %add3A_316 : i32
    %dma_start3A_342 = tpu.memref_slice %arg4[%add3A_341] : memref<3145728xf32, #tpu.memory_space<hbm>> -> memref<8192xf32, #tpu.memory_space<hbm>>
    %dma_start3A_343 = tpu.memref_slice %arg4[%add3A_341] : memref<3145728xf32, #tpu.memory_space<hbm>> -> memref<8192xf32, #tpu.memory_space<hbm>>
    tpu.enqueue_dma source(%arg19 : memref<8192xf32, #tpu.memory_space<vmem>>) target(%dma_start3A_343 : memref<8192xf32, #tpu.memory_space<hbm>>) target_semaphore(%arg23 : memref<!tpu.dma_semaphore, #tpu.memory_space<semaphore_mem>>)
    %dma_wait3A_344 = tpu.memref_slice %arg4[%add3A_275] : memref<3145728xf32, #tpu.memory_space<hbm>> -> memref<8192xf32, #tpu.memory_space<hbm>>
    %dma_wait3A_345 = tpu.memref_slice %arg4[%add3A_275] : memref<3145728xf32, #tpu.memory_space<hbm>> -> memref<8192xf32, #tpu.memory_space<hbm>>
    tpu.wait_dma2 semaphore(%arg22 : memref<!tpu.dma_semaphore, #tpu.memory_space<semaphore_mem>>) src(%arg14 : memref<8192xf32, #tpu.memory_space<vmem>>) dst(%dma_wait3A_345 : memref<8192xf32, #tpu.memory_space<hbm>>)
    %dma_wait3A_346 = tpu.memref_slice %arg4[%add3A_284] : memref<3145728xf32, #tpu.memory_space<hbm>> -> memref<8192xf32, #tpu.memory_space<hbm>>
    %dma_wait3A_347 = tpu.memref_slice %arg4[%add3A_284] : memref<3145728xf32, #tpu.memory_space<hbm>> -> memref<8192xf32, #tpu.memory_space<hbm>>
    tpu.wait_dma2 semaphore(%arg22 : memref<!tpu.dma_semaphore, #tpu.memory_space<semaphore_mem>>) src(%arg15 : memref<8192xf32, #tpu.memory_space<vmem>>) dst(%dma_wait3A_347 : memref<8192xf32, #tpu.memory_space<hbm>>)
    %dma_wait3A_348 = tpu.memref_slice %arg4[%add3A_293] : memref<3145728xf32, #tpu.memory_space<hbm>> -> memref<8192xf32, #tpu.memory_space<hbm>>
    %dma_wait3A_349 = tpu.memref_slice %arg4[%add3A_293] : memref<3145728xf32, #tpu.memory_space<hbm>> -> memref<8192xf32, #tpu.memory_space<hbm>>
    tpu.wait_dma2 semaphore(%arg22 : memref<!tpu.dma_semaphore, #tpu.memory_space<semaphore_mem>>) src(%arg16 : memref<8192xf32, #tpu.memory_space<vmem>>) dst(%dma_wait3A_349 : memref<8192xf32, #tpu.memory_space<hbm>>)
    %dma_wait3A_350 = tpu.memref_slice %arg4[%add3A_323] : memref<3145728xf32, #tpu.memory_space<hbm>> -> memref<8192xf32, #tpu.memory_space<hbm>>
    %dma_wait3A_351 = tpu.memref_slice %arg4[%add3A_323] : memref<3145728xf32, #tpu.memory_space<hbm>> -> memref<8192xf32, #tpu.memory_space<hbm>>
    tpu.wait_dma2 semaphore(%arg23 : memref<!tpu.dma_semaphore, #tpu.memory_space<semaphore_mem>>) src(%arg17 : memref<8192xf32, #tpu.memory_space<vmem>>) dst(%dma_wait3A_351 : memref<8192xf32, #tpu.memory_space<hbm>>)
    %dma_wait3A_352 = tpu.memref_slice %arg4[%add3A_332] : memref<3145728xf32, #tpu.memory_space<hbm>> -> memref<8192xf32, #tpu.memory_space<hbm>>
    %dma_wait3A_353 = tpu.memref_slice %arg4[%add3A_332] : memref<3145728xf32, #tpu.memory_space<hbm>> -> memref<8192xf32, #tpu.memory_space<hbm>>
    tpu.wait_dma2 semaphore(%arg23 : memref<!tpu.dma_semaphore, #tpu.memory_space<semaphore_mem>>) src(%arg18 : memref<8192xf32, #tpu.memory_space<vmem>>) dst(%dma_wait3A_353 : memref<8192xf32, #tpu.memory_space<hbm>>)
    %dma_wait3A_354 = tpu.memref_slice %arg4[%add3A_341] : memref<3145728xf32, #tpu.memory_space<hbm>> -> memref<8192xf32, #tpu.memory_space<hbm>>
    %dma_wait3A_355 = tpu.memref_slice %arg4[%add3A_341] : memref<3145728xf32, #tpu.memory_space<hbm>> -> memref<8192xf32, #tpu.memory_space<hbm>>
    tpu.wait_dma2 semaphore(%arg23 : memref<!tpu.dma_semaphore, #tpu.memory_space<semaphore_mem>>) src(%arg19 : memref<8192xf32, #tpu.memory_space<vmem>>) dst(%dma_wait3A_355 : memref<8192xf32, #tpu.memory_space<hbm>>)
    return
  }
}

module attributes {stable_mosaic.version = 14 : i64} {
  func.func @_proj_body(%arg0: memref<8x16xf32, #tpu.memory_space<vmem>>, %arg1: memref<16x16384xf32, #tpu.memory_space<vmem>>, %arg2: memref<8x16384xf32, #tpu.memory_space<vmem>>, %arg3: memref<8x16384xf32, #tpu.memory_space<vmem>>) attributes {dimension_semantics = [], scalar_prefetch = 0 : i64, scratch_operands = 0 : i64, tpu.core_type = #tpu.core_type<tc>} {
    %get3A = arith.constant 0 : index
    %get3A_0 = arith.constant 0 : index
    %get3A_1 = vector.load %arg0[%get3A, %get3A_0] : memref<8x16xf32, #tpu.memory_space<vmem>>, vector<8x16xf32>
    %get3A_2 = arith.constant 0 : index
    %get3A_3 = arith.constant 0 : index
    %get3A_4 = vector.load %arg1[%get3A_2, %get3A_3] : memref<16x16384xf32, #tpu.memory_space<vmem>>, vector<16x16384xf32>
    %dot_general3A = arith.constant dense<0.000000e+00> : vector<8x16384xf32>
    %dot_general3A_5 = tpu.matmul %get3A_1, %get3A_4, %dot_general3A {dimension_numbers = #tpu.dot_dimension_numbers<[1], [0], [0], [1], [0, 0, 1, 1], [], []>, precision = #tpu.contract_precision<fp32>, transpose_lhs_hint = false} : vector<8x16xf32>, vector<16x16384xf32>, vector<8x16384xf32> -> vector<8x16384xf32>
    %get3A_6 = arith.constant 0 : index
    %get3A_7 = arith.constant 0 : index
    %get3A_8 = vector.load %arg2[%get3A_6, %get3A_7] : memref<8x16384xf32, #tpu.memory_space<vmem>>, vector<8x16384xf32>
    %add3A = arith.addf %dot_general3A_5, %get3A_8 : vector<8x16384xf32>
    %swap3A = arith.constant 0 : index
    %swap3A_9 = arith.constant 0 : index
    %swap3A_10 = vector.load %arg3[%swap3A, %swap3A_9] : memref<8x16384xf32, #tpu.memory_space<vmem>>, vector<8x16384xf32>
    tpu.vector_store %arg3[%swap3A, %swap3A_9], %add3A {strides = array<i32>} : memref<8x16384xf32, #tpu.memory_space<vmem>>, vector<8x16384xf32>,
    return
  }
}

</mosaic_0001>

<sc_bundles>
// kernel: kernel.4.cloned.1.call-start
scs
__scs_entry_jumppad:
0x0: {  	(pc) =	sbr.rel $0x88, $3  }
0x1: {  	(tag) =	ssettag $0x0;
	lr =	simm.s32 $0x1  }
0x2: {  	[smem:$0x3F9D] =	sst lr;
	_ =	strace $0xD0000000  }
0x3: {  	_ = 	snop  }
0x4: {  	_ = 	snop  }
0x5: {  	_ = 	snop  }
0x6: {  	_ = 	snop  }
0x7: {  	_ = 	snop  }
__scs_overlays_trampoline_lowered:
0x8: {  	[smem:$0x3FAC] =	sst s0  }
0x9: {  	[smem:$0x3FAD] =	sst s1  }
0xa: {  	[smem:$0x3FAE] =	sst s2  }
0xb: {  	[smem:$0x3FAF] =	sst s3  }
0xc: {  	[smem:$0x3FB0] =	sst s4  }
0xd: {  	[smem:$0x3FB1] =	sst s5  }
0xe: {  	[smem:$0x3FB2] =	sst s6  }
0xf: {  	[smem:$0x3FB3] =	sst s7  }
0x10: {  	[smem:$0x3FB4] =	sst s8  }
0x11: {  	[smem:$0x3FB5] =	sst s9;
	s0 =	simm.s32 @!p0 $0x0  }
0x12: {  	s1 =	sld [smem:$0x3F9B];
	s0 =	simm.s32 @p0 $0x1  }
0x13: {  	[smem:$0x3FB6] =	sst s0;
	s0 =	simm.s32 @!p1 $0x0  }
0x14: {  	s2 =	sld [smem:$0x3F9A];
	s0 =	simm.s32 @p1 $0x1  }
0x15: {  	[smem:$0x3FB7] =	sst s0;
	s0 =	simm.s32 @!p2 $0x0  }
0x16: {  	s3 =	sld [smem:$0x3FDB];
	s0 =	simm.s32 @p2 $0x1  }
0x17: {  	s4 =	simm.s32 $0x1BF5;
	[smem:$0x3FB9] =	sst s0  }
0x18: {  	s0 =	sld [smem:$0x3F9C];
	_ =	swait.ge [sflag:s4], $0x0  }
0x19: {  	s7 =	sld [smem:$0x3F9D]  }
0x1a: {  	s8 =	sadd.s32 $0xFFFFE003, lr  }
0x1b: {  	s9 =	sadd.s32 $0xFFFFFEF7, lr;
	s5 =	simm.s32 $0xFFFFFFFF;
	p2 =	slt.u32 s8, $0xFFFFF086  }
0x1c: {  	p1 =	slt.u32 s9, $0xF7A;
	s5 =	simm.s32 @!p2 $0x0  }
0x1d: {  	s5 =	simm.s32 @p1 $0x1;
	p0 =	seq.s32 s7, s2  }
0x1e: {  	s7 =	smul.u32 @!p0 $0xF7A, s2;
	p2 =	seq.s32 @!p0 s5, $0x0  }
0x1f: {  	s9 =	smul.u32 $0xF7A, s1;
	s8 =	simm.s32 @!p0 $0x1BF5;
	p2 =	por !p2, p0  }
0x20: {  	[sflag:s8] =	ssyncset.s32 @!p0 $0xFFFFF086;
	s6 =	sadd.s32 @!p0 s3, s7;
	s7 =	simm.s32 @!p0 $0x108  }
0x21: {  	s3 =	sadd.s32 s3, s9;
	s6 =	sadd.s32 @!p0 $0x88, s6;
	s7 =	simm.s32 @p2 $0x1082  }
0x22: {  	[simem:s7], [sflag:s8] =	dma.local @!p0 [hbm:s6], $0xF7A  }
0x23: {  	s9 =	sor.u32 $0xD0000000, s2;
	s6 =	simm.s32 $0x108;
	_ =	swait.ge @!p0 [sflag:s8], $0x0  }
0x24: {  	s3 =	sadd.s32 $0x88, s3;
	s6 =	simm.s32 @!p1 $0x1082;
	[sflag:s4] =	ssyncset.s32 $0xFFFFF086  }
0x25: {  	[simem:s6], [sflag:s4] =	dma.local [hbm:s3], $0xF7A  }
0x26: {  	[smem:$0x3F9D] =	sst s1;
	(tag) =	ssettag s2;
	_ =	strace s9  }
0x27: {  	s1 =	sld [smem:$0x3FAD]  }
0x28: {  	s2 =	sld [smem:$0x3FAE]  }
0x29: {  	s4 =	sld [smem:$0x3FB0]  }
0x2a: {  	p0 =	seq.s32 s5, $0x0;
	s5 =	sld [smem:$0x3FB1]  }
0x2b: {  	s6 =	sld [smem:$0x3FB2]  }
0x2c: {  	s7 =	sld [smem:$0x3FB3]  }
0x2d: {  	s3 =	simm.s32 $0x108;
	s8 =	sld [smem:$0x3FB4]  }
0x2e: {  	s3 =	simm.s32 @!p0 $0x1082;
	s9 =	sld [smem:$0x3FB5]  }
0x2f: {  	lr =	sadd.s32 s0, s3;
	s0 =	sld [smem:$0x3FAC]  }
0x30: {  	s3 =	sld [smem:$0x3FAF]  }
0x31: {  	[smem:$0x3FB8] =	sst s10  }
0x32: {  	s10 =	sld [smem:$0x3FB6];
	_ =	sdelay $0x3  }
0x33: {  	p0 =	seq.s32 s10, $0x1;
	s10 =	sld [smem:$0x3FB8];
	_ =	sdelay $0x3  }
0x34: {  	[smem:$0x3FB8] =	sst s10  }
0x35: {  	s10 =	sld [smem:$0x3FB7];
	_ =	sdelay $0x3  }
0x36: {  	p1 =	seq.s32 s10, $0x1;
	s10 =	sld [smem:$0x3FB8];
	_ =	sdelay $0x3  }
0x37: {  	[smem:$0x3FB8] =	sst s10  }
0x38: {  	s10 =	sld [smem:$0x3FB9]  }
0x39: {  	_ = 	snop;
	(pc) =	sbr.ind lr, $3  }
0x3a: {  	_ = 	snop  }
0x3b: {  	_ = 	snop  }
0x3c: {  	p2 =	seq.s32 s10, $0x1;
	s10 =	sld [smem:$0x3FB8]  }
0x3d: {  	_ =	shalt  }
0x3e: {  	_ =	shalt  }
0x3f: {  	_ =	shalt  }
0x40: {  	_ =	shalt  }
0x41: {  	_ =	shalt  }
0x42: {  	_ =	shalt  }
0x43: {  	_ =	shalt  }
0x44: {  	_ =	shalt  }
0x45: {  	_ =	shalt  }
0x46: {  	_ =	shalt  }
0x47: {  	_ =	shalt  }
0x48: {  	_ =	shalt  }
0x49: {  	_ =	shalt  }
0x4a: {  	_ =	shalt  }
0x4b: {  	_ =	shalt  }
0x4c: {  	_ =	shalt  }
0x4d: {  	_ =	shalt  }
0x4e: {  	_ =	shalt  }
0x4f: {  	_ =	shalt  }
0x50: {  	_ =	shalt  }
0x51: {  	_ =	shalt  }
0x52: {  	_ =	shalt  }
0x53: {  	_ =	shalt  }
0x54: {  	_ =	shalt  }
0x55: {  	_ =	shalt  }
0x56: {  	_ =	shalt  }
0x57: {  	_ =	shalt  }
0x58: {  	_ =	shalt  }
0x59: {  	_ =	shalt  }
0x5a: {  	_ =	shalt  }
0x5b: {  	_ =	shalt  }
0x5c: {  	_ =	shalt  }
0x5d: {  	_ =	shalt  }
0x5e: {  	_ =	shalt  }
0x5f: {  	_ =	shalt  }
0x60: {  	_ =	shalt  }
0x61: {  	_ =	shalt  }
0x62: {  	_ =	shalt  }
0x63: {  	_ =	shalt  }
0x64: {  	_ =	shalt  }
0x65: {  	_ =	shalt  }
0x66: {  	_ =	shalt  }
0x67: {  	_ =	shalt  }
0x68: {  	_ =	shalt  }
0x69: {  	_ =	shalt  }
0x6a: {  	_ =	shalt  }
0x6b: {  	_ =	shalt  }
0x6c: {  	_ =	shalt  }
0x6d: {  	_ =	shalt  }
0x6e: {  	_ =	shalt  }
0x6f: {  	_ =	shalt  }
0x70: {  	_ =	shalt  }
0x71: {  	_ =	shalt  }
0x72: {  	_ =	shalt  }
0x73: {  	_ =	shalt  }
0x74: {  	_ =	shalt  }
0x75: {  	_ =	shalt  }
0x76: {  	_ =	shalt  }
0x77: {  	_ =	shalt  }
0x78: {  	_ =	shalt  }
0x79: {  	_ =	shalt  }
0x7a: {  	_ =	shalt  }
0x7b: {  	_ =	shalt  }
0x7c: {  	_ =	shalt  }
0x7d: {  	_ =	shalt  }
0x7e: {  	_ =	shalt  }
0x7f: {  	_ =	shalt  }
0x80: {  	_ =	shalt  }
0x81: {  	_ =	shalt  }
0x82: {  	_ =	shalt  }
0x83: {  	_ =	shalt  }
0x84: {  	_ =	shalt  }
0x85: {  	_ =	shalt  }
0x86: {  	_ =	shalt  }
0x87: {  	_ =	shalt  }
.Lfunc_end0:
.L_simem_size_0:
called_computation_lowered:
.L_overlay_start_0:
0x88: {  	s2 =	sld [smem:$0x3FD9]  }
0x89: {  	s3 =	sld [smem:$0x3FFE];
	_ =	sdelay $0x1  }
0x8a: {  	s1 =	srdreg.scid  }
0x8b: {  	s0 =	sand.u32 $0x1, s1  }
0x8c: {  	s17 =	sshll.u32 s0, $0xA;
	s2 =	sadd.s32 s3, s2  }
0x8d: {  	s2 =	sadd.s32 s2, s17  }
0x8e: {  	[smem:$0x3FC4] =	sst s2  }
0x8f: {  	_ = 	snop  }
0x90: {  	s2 =	sld [smem:$0x3FD0];
	(tm) =	ssettm $0x1  }
0x91: {  	s18 =	sld [smem:$0x3FFB];
	_ =	sdelay $0x3  }
0x92: {  	_ =	strace s18  }
0x93: {  	s3 =	sld [smem:$0x3FFC];
	_ =	sdelay $0x3  }
0x94: {  	_ =	strace s3  }
0x95: {  	s3 =	sld [smem:$0x3FFD];
	_ =	sdelay $0x3  }
0x96: {  	_ =	strace s3  }
0x97: {  	_ =	strace $0x8FFFFFFF  }
0x98: {  	s19 =	sld [smem:$0x3FDB];
	_ =	sdelay $0x1  }
0x99: {  	s4 =	simm.s32 $_scs_section_size  }
0x9a: {  	s5 =	simm.s32 $_size__tile_overlayer_lowered;
	s6 =	simm.s32 $_tile_overlayer_lowered  }
0x9b: {  	s22 =	simm.s32 $0x1BFF;
	s21 =	sshll.u32 s6, $0x1;
	s3 =	sadd.s32 s4, s19  }
0x9c: {  	s7 =	simm.s32 $0x0;
	s20 =	sshll.u32 s5, $0x1;
	s5 =	sadd.s32 s21, s3  }
0x9d: {  	[timem:s7], [sflag:s22] =	dma.local [hbm:s5], s20  }
0x9e: {  	_ =	swait.ge [sflag:s22], s20  }
0x9f: {  	s4 =	ssub.s32 $0x0, s20;
	[sflag:s22] =	ssyncset.done $0x0  }
0xa0: {  	[sflag:s22] =	ssyncadd.s32 s4;
	_ =	sdelay $0x1  }
0xa1: {  	s23 =	simm.s32 $0x1B8B  }
0xa2: {  	_ =	swait.ge [sflag:s23], $0x1  }
0xa3: {  	[sflag:s23] =	ssyncset.done $0x0  }
0xa4: {  	s25 =	simm.s32 $0x1B8E;
	s24 =	sld [smem:$0x3FFE];
	[sflag:s23] =	ssyncadd.s32 $0xFFFFFFFF  }
0xa5: {  	s26 =	simm.s32 $execute0_lowered;
	[smem:$0x3FD2] =	sst s25  }
0xa6: {  	s5 =	sshll.u32 s26, $0x1;
	_ =	strace $0x80000046;
	[dreg:$0x1] =	wrdreg $0xFFFFFFFF  }
0xa7: {  	s28 =	simm.s32 $_size_execute0_lowered;
	s3 =	sadd.s32 s3, s5;
	[dreg:$0x0] =	wrdreg $0x0  }
0xa8: {  	s5 =	sshll.u32 s28, $0x1;
	[dreg:$0x2] =	wrdreg s3  }
0xa9: {  	[dreg:$0x3] =	wrdreg s5  }
0xaa: {  	[dreg:$0x4] =	wrdreg $0xC0  }
0xab: {  	_ =	task [dreg:s7], $0x5FFFF  }
0xac: {  	[dreg:$0x1] =	wrdreg $0xFFFFFFFF  }
0xad: {  	[dreg:$0x0] =	wrdreg $0x60  }
0xae: {  	[dreg:$0x2] =	wrdreg s24  }
0xaf: {  	[dreg:$0x3] =	wrdreg s2  }
0xb0: {  	[dreg:$0x4] =	wrdreg $0x9  }
0xb1: {  	_ =	task.clear_ibuf [dreg:s7], $0x5FFFF;
	_ =	strace $0x90000046  }
0xb2: {  	s29 =	simm.s32 $0x9;
	_ =	strace $0x80000048  }
0xb3: {  	_ =	swait.ge [sflag:s29], $0x1  }
0xb4: {  	[sflag:s29] =	ssyncadd.s32 $0xFFFFFFFF  }
0xb5: {  	_ =	strace $0x90000048  }
0xb6: {  	_ =	sfence  }
0xb7: {  	s30 =	sld [smem:$0x0];
	_ =	sdelay $0x2  }
0xb8: {  	s31 =	sshll.u32 s1, $0xD;
	s1 =	sshrl.u32 s1, $0x2  }
0xb9: {  	s3 =	sand.u32 $0x4000, s31;
	s1 =	sadd.s32 s1, s30  }
0xba: {  	s0 =	sor.u32 s3, s0;
	s1 =	sshll.u32 s1, $0x11  }
0xbb: {  	s0 =	sor.u32 s1, s0  }
0xbc: {  	s0 =	sadd.s32 $0x8F2B, s0  }
0xbd: {  	[sflag:s0] =	ssyncadd.remote.s32 $0x1  }
0xbe: {  	_ =	sfence.sel $0xFFFF  }
0xbf: {  	[dreg:$0x0] =	wrdreg $0xFFFFFFFF;
	(pc) =	sbr.abs _section_cstart, $3  }
0xc0: {  	[dreg:$0x1] =	wrdreg $0xFFFFFFFF  }
0xc1: {  	_ =	task.clear_ibuf [dreg:s7], $0x2FFFF;
	_ =	strace $0x9FFFFFFF  }
0xc2: {  	(tm) =	ssettm $0x7FFFFFFF  }
0xc3: {  	_ =	shalt  }
tec
execute0_lowered:
.L_overlay_start_1:
0x0: {  	(tag) =	ssettag $0x1  }
0x1: {  	s2 =	rddreg [dreg:$0x0]  }
0x2: {  	s0 =	rddreg [dreg:$0x1];
	s1 =	simm.s32 $0x0;
	s5 =	stileid.u32  }
0x3: {  	s4 =	srdreg.scid;
	[smem:$0x7FF] =	sst s1;
	s3 =	sshrl.u32 s5, $0x2  }
0x4: {  	s5 =	sshll.u32 s5, $0x1;
	s4 =	sand.u32 $0x1, s4;
	s6 =	sshll.u32 s3, $0x9  }
0x5: {  	s5 =	sand.u32 $0x6, s5;
	s7 =	ssub.s32 $0x2, s4;
	s3 =	smul.u32 $0xC0000, s3  }
0x6: {  	s4 =	sor.u32 s4, s5;
	s5 =	sadd.s32 s6, s2;
	s19 =	sshrl.u32 s7, $0x1  }
0x7: {  	s2 =	sadd.s32 $0x4600, s2;
	s4 =	sshll.u32 s4, $0xF;
	s6 =	ssub.s32 s7, s19  }
0x8: {  	s8 =	sadd.s32 $0x40000, s3;
	s9 =	sadd.s32 $0x80000, s3;
	s28 =	sadd.s32 $0x600, s5  }
0x9: {  	s29 =	sadd.s32 $0xE00, s5;
	s30 =	sadd.s32 $0x1600, s5;
	s5 =	simm.s32 $0x15000  }
0xa: {  	s20 =	sor.u32 s3, s4;
	s21 =	sor.u32 s8, s4;
	s11 =	sor.u32 s9, s4  }
0xb: {  	s12 =	sor.u32 $0x2000, s4;
	s26 =	sor.u32 $0x4000, s4;
	s4 =	sor.u32 $0x6000, s4  }
0xc: {  	s31 =	smax.u32 s6, $0x1;
	s6 =	simm.s32 $0x17000;
	s7 =	sshrl.u32 s20, $0x3  }
0xd: {  	s11 =	sshrl.u32 s11, $0x3;
	s23 =	sor.u32 s3, s12;
	s14 =	sor.u32 s8, s12  }
0xe: {  	s12 =	sor.u32 s9, s12;
	s17 =	sor.u32 s3, s26;
	s19 =	sor.u32 s8, s26  }
0xf: {  	s3 =	sor.u32 s3, s4;
	s8 =	sor.u32 s8, s4;
	s4 =	sor.u32 s9, s4  }
0x10: {  	s10 =	sadd.s32 s0, s7;
	s22 =	sadd.s32 s0, s11;
	s14 =	sshrl.u32 s14, $0x3  }
0x11: {  	s12 =	sshrl.u32 s12, $0x3;
	s7 =	sadd.s32 s2, s7;
	s18 =	sadd.s32 s2, s11  }
0x12: {  	s3 =	sshrl.u32 s3, $0x3;
	s8 =	sshrl.u32 s8, $0x3;
	[dreg:$0x3] =	wrdreg s10  }
0x13: {  	s4 =	sshrl.u32 s4, $0x3;
	s10 =	sshrl.u32 s21, $0x3;
	[dreg:$0x5] =	wrdreg s22  }
0x14: {  	s24 =	sadd.s32 s0, s14;
	s25 =	sadd.s32 s0, s12;
	[dreg:$0x9] =	wrdreg s7  }
0x15: {  	[dreg:$0xb] =	wrdreg s18;
	s7 =	sshrl.u32 s17, $0x3;
	s21 =	sor.u32 s9, s26  }
0x16: {  	s26 =	sadd.s32 s2, s12;
	s17 =	sadd.s32 s0, s3;
	s18 =	simm.s32 $0x5  }
0x17: {  	s9 =	simm.s32 $0x1;
	s12 =	simm.s32 $0x19000;
	[dreg:$0x7] =	wrdreg s24  }
0x18: {  	s13 =	sadd.s32 s0, s10;
	[dreg:$0x8] =	wrdreg s25;
	s16 =	sadd.s32 s2, s10  }
0x19: {  	s20 =	sadd.s32 s0, s7;
	s10 =	sshrl.u32 s19, $0x3;
	[dreg:$0x10] =	wrdreg s26  }
0x1a: {  	s25 =	sadd.s32 s2, s14;
	s19 =	sadd.s32 s0, s8;
	[dreg:$0x4] =	wrdreg s13  }
0x1b: {  	s26 =	sadd.s32 s2, s4;
	s13 =	sshrl.u32 s23, $0x3;
	[dreg:$0xa] =	wrdreg s16  }
0x1c: {  	[dreg:$0xc] =	wrdreg s20;
	s22 =	sadd.s32 s0, s10;
	s23 =	sshrl.u32 s21, $0x3  }
0x1d: {  	[dreg:$0xf] =	wrdreg s25;
	s20 =	sadd.s32 s0, s4;
	s21 =	sadd.s32 s2, s7  }
0x1e: {  	s25 =	sadd.s32 s2, s8;
	s4 =	simm.s32 $0x2;
	s7 =	simm.s32 $0x3  }
0x1f: {  	s8 =	simm.s32 $0x4;
	s15 =	sadd.s32 s0, s13;
	[dreg:$0xd] =	wrdreg s22  }
0x20: {  	s24 =	sadd.s32 s2, s13;
	s16 =	sadd.s32 s0, s23;
	s22 =	sadd.s32 s2, s10  }
0x21: {  	s23 =	sadd.s32 s2, s23;
	s0 =	simm.s32 $0x1000;
	[dreg:$0x6] =	wrdreg s15  }
0x22: {  	s13 =	simm.s32 $0x0;
	[dreg:$0xe] =	wrdreg s24;
	s24 =	sadd.s32 s2, s3  }
0x23: {  	s2 =	simm.s32 $0x2000;
	s3 =	simm.s32 $0x13000;
	_ =	strace $0x80000047  }
.LBB2_1:
0x24: {  	[tilespmem:s1], [sflag:$0x5] =	stream.linear.gather [hbm4b:s28+s1], $0x1000, $0x38;
	[tilespmem:$0x1B000] =	vst v63  }
0x25: {  	_ =	swait.ge [sflag:s18], $0x1000  }
0x26: {  	[sflag:s18] =	ssyncset.done $0x0  }
0x27: {  	[sflag:s18] =	ssyncadd.s32 $0xFFFFF000  }
0x28: {  	[tilespmem:s0], [sflag:$0x5] =	stream.linear.gather [hbm4b:s29+s1], $0x1000, $0x38;
	[tilespmem:$0x1B000] =	vst v63  }
0x29: {  	_ =	swait.ge [sflag:s18], $0x1000  }
0x2a: {  	[sflag:s18] =	ssyncset.done $0x0  }
0x2b: {  	[sflag:s18] =	ssyncadd.s32 $0xFFFFF000  }
0x2c: {  	[tilespmem:s2], [sflag:$0x5] =	stream.linear.gather [hbm4b:s30+s1], $0x1000, $0x38;
	[tilespmem:$0x1B000] =	vst v63  }
0x2d: {  	_ =	swait.ge [sflag:s18], $0x1000  }
0x2e: {  	[sflag:s18] =	ssyncset.done $0x0  }
0x2f: {  	s11 =	simm.s32 $0x3000;
	s10 =	rddreg [dreg:$0x3];
	[sflag:s18] =	ssyncadd.s32 $0xFFFFF000  }
0x30: {  	[tilespmem:s11], [sflag:$0x1] =	stream.linear.gather [hbm4b:s10+s1], $0x2000, $0x38;
	[tilespmem:$0x1B000] =	vst v63  }
0x31: {  	s15 =	simm.s32 $0x5000;
	s14 =	rddreg [dreg:$0x4]  }
0x32: {  	[tilespmem:s15], [sflag:$0x1] =	stream.linear.gather [hbm4b:s14+s1], $0x2000, $0x38;
	[tilespmem:$0x1B000] =	vst v63  }
0x33: {  	s14 =	rddreg [dreg:$0x5];
	s15 =	simm.s32 $0x7000  }
0x34: {  	[tilespmem:s15], [sflag:$0x1] =	stream.linear.gather [hbm4b:s14+s1], $0x2000, $0x38;
	[tilespmem:$0x1B000] =	vst v63  }
0x35: {  	s14 =	rddreg [dreg:$0x6];
	s15 =	simm.s32 $0x9000  }
0x36: {  	[tilespmem:s15], [sflag:$0x2] =	stream.linear.gather [hbm4b:s14+s1], $0x2000, $0x38;
	[tilespmem:$0x1B000] =	vst v63  }
0x37: {  	s14 =	rddreg [dreg:$0x7];
	s15 =	simm.s32 $0xB000  }
0x38: {  	[tilespmem:s15], [sflag:$0x2] =	stream.linear.gather [hbm4b:s14+s1], $0x2000, $0x38;
	[tilespmem:$0x1B000] =	vst v63  }
0x39: {  	s14 =	rddreg [dreg:$0x8];
	s15 =	simm.s32 $0xD000  }
0x3a: {  	[tilespmem:s15], [sflag:$0x2] =	stream.linear.gather [hbm4b:s14+s1], $0x2000, $0x38;
	[tilespmem:$0x1B000] =	vst v63  }
0x3b: {  	_ =	swait.ge [sflag:s9], $0x2000  }
0x3c: {  	[sflag:s9] =	ssyncset.done $0x0  }
0x3d: {  	[sflag:s9] =	ssyncadd.s32 $0xFFFFE000  }
0x3e: {  	_ =	swait.ge [sflag:s9], $0x2000  }
0x3f: {  	[sflag:s9] =	ssyncset.done $0x0  }
0x40: {  	[sflag:s9] =	ssyncadd.s32 $0xFFFFE000  }
0x41: {  	_ =	swait.ge [sflag:s9], $0x2000  }
0x42: {  	[sflag:s9] =	ssyncset.done $0x0  }
0x43: {  	s10 =	simm.s32 $0x0;
	[sflag:s9] =	ssyncadd.s32 $0xFFFFE000  }
0x44: {  	v0 =	vld [tilespmem:s10+$0x5000]  }
0x45: {  	v1 =	vld [tilespmem:s10+$0x3000]  }
0x46: {  	v2 =	vld [tilespmem:s10+$0x7000];
	_ =	sdelay $0x2  }
0x47: {  	v0 =	vmul.f32 $1.500000000e+01, v0  }
0x48: {  	v1 =	vmul.f32 $1.500000000e+01, v1  }
0x49: {  	v2 =	vmul.f32 $1.500000000e+01, v2;
	v3 =	vtrunc.f32 v0  }
0x4a: {  	v3 =	vcvt.f32.s32 v3  }
0x4b: {  	v4 =	vtrunc.f32 v1;
	v7 =	vtrunc.f32 v2  }
0x4c: {  	v6 =	vcvt.f32.s32 v4;
	v5 =	vcvt.s32.f32 v3  }
0x4d: {  	s14 =	simm.s32 $0x10;
	v15 =	vcvt.f32.s32 v7  }
0x4e: {  	v10 =	vld [tilespmem:s14+$0x3000];
	v12 =	vshll.u32 v3, $0x4;
	v4 =	vsub.f32 v0, v5;
	v0 =	vcvt.s32.f32 v6  }
0x4f: {  	v3 =	vld [tilespmem:s14+$0x7000];
	v17 =	vadd.s32 $0x1, v15;
	v9 =	vadd.s32 $0x10, v12;
	v5 =	vshll.u32 v6, $0x8  }
0x50: {  	v14 =	vadd.s32 $0x100, v5;
	v8 =	vadd.s32 v5, v12;
	v19 =	vsub.f32 v1, v0;
	v1 =	vld [tilespmem:s14+$0x5000]  }
0x51: {  	v5 =	vadd.s32 v5, v9;
	v7 =	vsub.f32 $1.000000000e+00, v4;
	v0 =	vcvt.s32.f32 v15  }
0x52: {  	v6 =	vadd.s32 v17, v8;
	v13 =	vadd.s32 v14, v9;
	v11 =	vadd.s32 v15, v8  }
0x53: {  	v9 =	vadd.s32 v15, v5;
	v8 =	vadd.s32 v17, v5;
	v28 =	vadd.s32 v12, v14  }
0x54: {  	v16 =	vsub.f32 $1.000000000e+00, v19;
	v20 =	vsub.f32 v2, v0;
	v0 =	vmul.f32 $1.500000000e+01, v3  }
0x55: {  	v5 =	vadd.s32 v17, v13;
	v3 =	vmul.f32 $1.500000000e+01, v10;
	v18 =	vmul.f32 $1.500000000e+01, v1  }
0x56: {  	v17 =	vadd.s32 v17, v28;
	v2 =	vmul.f32 v7, v16;
	v23 =	vmul.f32 v4, v16  }
0x57: {  	v21 =	vsub.f32 $1.000000000e+00, v20;
	v12 =	vtrunc.f32 v3;
	v25 =	vld.idx.msk [tilespmem:v6+s1+$0x0], $0xffff;
	v16 =	vtrunc.f32 v18  }
0x58: {  	v1 =	vtrunc.f32 v0;
	v26 =	vld.idx.msk [tilespmem:v11+s1+$0x0], $0xffff;
	v22 =	vcvt.f32.s32 v16;
	v16 =	vadd.s32 v15, v28  }
0x59: {  	v10 =	vadd.s32 v15, v13;
	v24 =	vld.idx.msk [tilespmem:v8+s1+$0x0], $0xffff;
	v13 =	vmul.f32 v2, v20;
	v14 =	vmul.f32 v21, v2  }
0x5a: {  	s15 =	simm.s32 $0x80;
	v27 =	vld.idx.msk [tilespmem:v9+s1+$0x0], $0xffff;
	v1 =	vcvt.f32.s32 v1;
	v15 =	vmul.f32 v21, v23;
	v2 =	vshll.u32 v22, $0x4  }
.LBB2_2:
0x5b: {  	p0 =	sne.s32 s15, $0x7FC0;
	v22 =	vcvt.s32.f32 v22;
	v28 =	vmul.f32 v7, v19;
	s11 =	smov.u32 s15;
	s15 =	sadd.s32 $0x40, s15  }
0x5c: {  	v23 =	vmul.f32 v20, v23;
	v25 =	vmul.f32 v13, v25  }
0x5d: {  	v18 =	vsub.f32 v18, v22;
	v22 =	vmul.f32 v14, v26;
	v26 =	vld.idx.msk [tilespmem:v16+s1+$0x0], $0xffff  }
0x5e: {  	v29 =	vmul.f32 v21, v28  }
0x5f: {  	v7 =	vsub.f32 $1.000000000e+00, v18;
	v22 =	vadd.f32 v25, v22;
	v25 =	vmul.f32 v15, v27;
	v27 =	vld.idx.msk [tilespmem:v17+s1+$0x0], $0xffff  }
0x60: {  	v19 =	vmul.f32 v4, v19;
	v28 =	vmul.f32 v28, v20;
	v4 =	vmov v18  }
0x61: {  	v18 =	vadd.f32 v22, v25;
	v22 =	vmul.f32 v23, v24;
	v24 =	vld.idx.msk [tilespmem:v10+s1+$0x0], $0xffff  }
0x62: {  	v21 =	vmul.f32 v21, v19  }
0x63: {  	v18 =	vadd.f32 v18, v22;
	v22 =	vmul.f32 v29, v26;
	v25 =	vld.idx.msk [tilespmem:v5+s1+$0x0], $0xffff  }
0x64: {  	v19 =	vmul.f32 v20, v19  }
0x65: {  	v20 =	vmul.f32 v28, v27;
	v18 =	vadd.f32 v18, v22;
	_ =	sdelay $0x1  }
0x66: {  	v18 =	vadd.f32 v18, v20;
	v20 =	vmul.f32 v24, v21;
	_ =	sdelay $0x1  }
0x67: {  	v18 =	vadd.f32 v18, v20;
	v20 =	vmul.f32 v25, v19;
	_ =	sdelay $0x1  }
0x68: {  	v18 =	vadd.f32 v18, v20;
	_ =	sdelay $0x1  }
0x69: {  	[tilespmem:s10+$0xF000] =	vst v18  }
0x6a: {  	v18 =	vld.idx.msk [tilespmem:v6+s0+$0x0], $0xffff  }
0x6b: {  	v20 =	vld.idx.msk [tilespmem:v11+s0+$0x0], $0xffff;
	_ =	sdelay $0x1  }
0x6c: {  	v22 =	vld.idx.msk [tilespmem:v9+s0+$0x0], $0xffff;
	_ =	sdelay $0x1  }
0x6d: {  	v24 =	vld.idx.msk [tilespmem:v8+s0+$0x0], $0xffff  }
0x6e: {  	v18 =	vmul.f32 v18, v13  }
0x6f: {  	v20 =	vmul.f32 v20, v14;
	v25 =	vld.idx.msk [tilespmem:v16+s0+$0x0], $0xffff;
	_ =	sdelay $0x1  }
0x70: {  	v18 =	vadd.f32 v18, v20;
	v20 =	vmul.f32 v22, v15;
	v22 =	vld.idx.msk [tilespmem:v17+s0+$0x0], $0xffff;
	_ =	sdelay $0x1  }
0x71: {  	v18 =	vadd.f32 v20, v18;
	v20 =	vmul.f32 v24, v23;
	v24 =	vld.idx.msk [tilespmem:v10+s0+$0x0], $0xffff;
	_ =	sdelay $0x1  }
0x72: {  	v18 =	vadd.f32 v20, v18;
	v20 =	vmul.f32 v25, v29;
	v25 =	vld.idx.msk [tilespmem:v5+s0+$0x0], $0xffff;
	_ =	sdelay $0x1  }
0x73: {  	v18 =	vadd.f32 v20, v18;
	v20 =	vmul.f32 v22, v28;
	_ =	sdelay $0x1  }
0x74: {  	v18 =	vadd.f32 v20, v18;
	v20 =	vmul.f32 v24, v21;
	_ =	sdelay $0x1  }
0x75: {  	v18 =	vadd.f32 v20, v18;
	v20 =	vmul.f32 v25, v19;
	_ =	sdelay $0x1  }
0x76: {  	v18 =	vadd.f32 v20, v18;
	_ =	sdelay $0x1  }
0x77: {  	[tilespmem:s10+$0x11000] =	vst v18  }
0x78: {  	v11 =	vld.idx.msk [tilespmem:v11+s2+$0x0], $0xffff  }
0x79: {  	v6 =	vld.idx.msk [tilespmem:v6+s2+$0x0], $0xffff  }
0x7a: {  	v9 =	vld.idx.msk [tilespmem:v9+s2+$0x0], $0xffff  }
0x7b: {  	v8 =	vld.idx.msk [tilespmem:v8+s2+$0x0], $0xffff  }
0x7c: {  	v16 =	vld.idx.msk [tilespmem:v16+s2+$0x0], $0xffff  }
0x7d: {  	v17 =	vld.idx.msk [tilespmem:v17+s2+$0x0], $0xffff  }
0x7e: {  	v11 =	vmul.f32 v11, v14;
	v10 =	vld.idx.msk [tilespmem:v10+s2+$0x0], $0xffff  }
0x7f: {  	v6 =	vmul.f32 v6, v13;
	v5 =	vld.idx.msk [tilespmem:v5+s2+$0x0], $0xffff  }
0x80: {  	v9 =	vmul.f32 v9, v15  }
0x81: {  	v6 =	vadd.f32 v6, v11;
	v8 =	vmul.f32 v8, v23  }
0x82: {  	v11 =	vmul.f32 v16, v29  }
0x83: {  	v6 =	vadd.f32 v9, v6;
	v9 =	vmul.f32 v17, v28  }
0x84: {  	v12 =	vcvt.f32.s32 v12;
	v10 =	vmul.f32 v10, v21  }
0x85: {  	v6 =	vadd.f32 v8, v6;
	v13 =	vmul.f32 v5, v19  }
0x86: {  	v5 =	vcvt.s32.f32 v12;
	v8 =	vshll.u32 v12, $0x8  }
0x87: {  	s11 =	sshra.s32 s11, $0x2;
	v12 =	vadd.s32 $0x100, v8;
	v14 =	vadd.s32 v8, v2;
	v11 =	vadd.f32 v11, v6  }
0x88: {  	v17 =	vadd.s32 $0x1, v1;
	v19 =	vsub.f32 v3, v5;
	v3 =	vcvt.s32.f32 v1;
	v15 =	vld [tilespmem:s11+$0x7000]  }
0x89: {  	v5 =	vadd.s32 $0x10, v2;
	v6 =	vadd.s32 v17, v14;
	v18 =	vadd.f32 v9, v11;
	v16 =	vld [tilespmem:s11+$0x5000]  }
0x8a: {  	v8 =	vadd.s32 v8, v5;
	v21 =	vadd.s32 v12, v5;
	v11 =	vadd.s32 v1, v14;
	v22 =	vld [tilespmem:s11+$0x3000]  }
0x8b: {  	v9 =	vadd.s32 v1, v8;
	v8 =	vadd.s32 v17, v8;
	v14 =	vadd.f32 v10, v18  }
0x8c: {  	v20 =	vsub.f32 v0, v3;
	v5 =	vadd.s32 v17, v21;
	v3 =	vsub.f32 $1.000000000e+00, v19  }
0x8d: {  	v10 =	vadd.s32 v1, v21;
	v13 =	vadd.f32 v13, v14;
	v0 =	vmul.f32 $1.500000000e+01, v15  }
0x8e: {  	v21 =	vsub.f32 $1.000000000e+00, v20;
	v23 =	vmul.f32 v4, v3;
	v14 =	vmul.f32 v7, v3  }
0x8f: {  	v18 =	vmul.f32 $1.500000000e+01, v16;
	v3 =	vmul.f32 $1.500000000e+01, v22;
	[tilespmem:s10+$0x13000] =	vst v13;
	s10 =	smov.u32 s14;
	s14 =	smov.u32 s11  }
.Ltmp0:
0x90: {  	v15 =	vtrunc.f32 v0;
	v13 =	vmul.f32 v14, v20;
	v25 =	vld.idx.msk [tilespmem:v6+s1+$0x0], $0xffff;
	(pc) =	sbr.rel @p0 .LBB2_2-.Ltmp0, $4  }
0x91: {  	v28 =	vadd.s32 v2, v12;
	v14 =	vmul.f32 v21, v14;
	v16 =	vtrunc.f32 v18;
	v26 =	vld.idx.msk [tilespmem:v11+s1+$0x0], $0xffff  }
0x92: {  	v12 =	vtrunc.f32 v3;
	v22 =	vcvt.f32.s32 v16;
	v16 =	vadd.s32 v1, v28;
	v24 =	vld.idx.msk [tilespmem:v8+s1+$0x0], $0xffff  }
0x93: {  	v1 =	vcvt.f32.s32 v15;
	v15 =	vmul.f32 v21, v23;
	v27 =	vld.idx.msk [tilespmem:v9+s1+$0x0], $0xffff  }
0x94: {  	v17 =	vadd.s32 v17, v28;
	v2 =	vshll.u32 v22, $0x4  }
0x95: {  	_ =	sdelay $0x2  }
0x96: {  	v25 =	vmul.f32 v13, v25;
	v26 =	vmul.f32 v14, v26  }
0x97: {  	v7 =	vmul.f32 v7, v19;
	v28 =	vld.idx.msk [tilespmem:v16+s1+$0x0], $0xffff  }
0x98: {  	v23 =	vmul.f32 v20, v23;
	v25 =	vadd.f32 v25, v26;
	v26 =	vmul.f32 v15, v27  }
0x99: {  	v27 =	vld.idx.msk [tilespmem:v17+s1+$0x0], $0xffff  }
0x9a: {  	v29 =	vmul.f32 v21, v7;
	v24 =	vmul.f32 v23, v24;
	v25 =	vadd.f32 v25, v26  }
0x9b: {  	v4 =	vmul.f32 v4, v19;
	v19 =	vld.idx.msk [tilespmem:v10+s1+$0x0], $0xffff  }
0x9c: {  	v7 =	vmul.f32 v7, v20;
	v24 =	vadd.f32 v25, v24;
	v25 =	vmul.f32 v29, v28  }
0x9d: {  	v26 =	vld.idx.msk [tilespmem:v5+s1+$0x0], $0xffff  }
0x9e: {  	v21 =	vmul.f32 v21, v4;
	v24 =	vadd.f32 v24, v25;
	v25 =	vmul.f32 v7, v27;
	_ =	sdelay $0x1  }
0x9f: {  	v4 =	vmul.f32 v20, v4;
	v19 =	vmul.f32 v19, v21;
	v20 =	vadd.f32 v24, v25;
	_ =	sdelay $0x1  }
0xa0: {  	v19 =	vadd.f32 v20, v19;
	v20 =	vmul.f32 v26, v4;
	_ =	sdelay $0x1  }
0xa1: {  	v19 =	vadd.f32 v19, v20;
	_ =	sdelay $0x1  }
0xa2: {  	[tilespmem:s10+$0xF000] =	vst v19  }
0xa3: {  	v19 =	vld.idx.msk [tilespmem:v6+s0+$0x0], $0xffff  }
0xa4: {  	v20 =	vld.idx.msk [tilespmem:v11+s0+$0x0], $0xffff;
	_ =	sdelay $0x1  }
0xa5: {  	v24 =	vld.idx.msk [tilespmem:v9+s0+$0x0], $0xffff;
	_ =	sdelay $0x1  }
0xa6: {  	v25 =	vld.idx.msk [tilespmem:v8+s0+$0x0], $0xffff  }
0xa7: {  	v19 =	vmul.f32 v19, v13;
	v20 =	vmul.f32 v20, v14  }
0xa8: {  	v26 =	vld.idx.msk [tilespmem:v16+s0+$0x0], $0xffff  }
0xa9: {  	v19 =	vadd.f32 v19, v20;
	v20 =	vmul.f32 v24, v15  }
0xaa: {  	v24 =	vld.idx.msk [tilespmem:v17+s0+$0x0], $0xffff  }
0xab: {  	v19 =	vadd.f32 v20, v19;
	v20 =	vmul.f32 v25, v23  }
0xac: {  	v25 =	vld.idx.msk [tilespmem:v10+s0+$0x0], $0xffff  }
0xad: {  	v19 =	vadd.f32 v20, v19;
	v20 =	vmul.f32 v26, v29  }
0xae: {  	v26 =	vld.idx.msk [tilespmem:v5+s0+$0x0], $0xffff  }
0xaf: {  	v19 =	vadd.f32 v20, v19;
	v20 =	vmul.f32 v24, v7;
	_ =	sdelay $0x1  }
0xb0: {  	v19 =	vadd.f32 v20, v19;
	v20 =	vmul.f32 v25, v21;
	_ =	sdelay $0x1  }
0xb1: {  	v19 =	vadd.f32 v20, v19;
	v20 =	vmul.f32 v26, v4;
	_ =	sdelay $0x1  }
0xb2: {  	v19 =	vadd.f32 v20, v19;
	_ =	sdelay $0x1  }
0xb3: {  	[tilespmem:s10+$0x11000] =	vst v19  }
0xb4: {  	v11 =	vld.idx.msk [tilespmem:v11+s2+$0x0], $0xffff  }
0xb5: {  	v6 =	vld.idx.msk [tilespmem:v6+s2+$0x0], $0xffff;
	_ =	sdelay $0x1  }
0xb6: {  	v9 =	vld.idx.msk [tilespmem:v9+s2+$0x0], $0xffff;
	_ =	sdelay $0x1  }
0xb7: {  	v8 =	vld.idx.msk [tilespmem:v8+s2+$0x0], $0xffff  }
0xb8: {  	v11 =	vmul.f32 v11, v14;
	v6 =	vmul.f32 v6, v13  }
0xb9: {  	v13 =	vld.idx.msk [tilespmem:v16+s2+$0x0], $0xffff  }
0xba: {  	v9 =	vmul.f32 v9, v15;
	v6 =	vadd.f32 v6, v11  }
0xbb: {  	v11 =	vld.idx.msk [tilespmem:v17+s2+$0x0], $0xffff  }
0xbc: {  	v8 =	vmul.f32 v8, v23;
	v6 =	vadd.f32 v9, v6  }
0xbd: {  	v9 =	vld.idx.msk [tilespmem:v10+s2+$0x0], $0xffff  }
0xbe: {  	v5 =	vld.idx.msk [tilespmem:v5+s2+$0x0], $0xffff;
	v10 =	vmul.f32 v13, v29;
	v6 =	vadd.f32 v8, v6;
	_ =	sdelay $0x1  }
0xbf: {  	v8 =	vcvt.f32.s32 v12;
	v7 =	vmul.f32 v11, v7;
	v6 =	vadd.f32 v10, v6;
	_ =	sdelay $0x1  }
0xc0: {  	v10 =	vshll.u32 v8, $0x8;
	v9 =	vmul.f32 v9, v21;
	v6 =	vadd.f32 v7, v6  }
0xc1: {  	v4 =	vmul.f32 v5, v4;
	v12 =	vadd.s32 $0x1, v1;
	v11 =	vadd.s32 v10, v2  }
0xc2: {  	v7 =	vcvt.s32.f32 v22;
	v5 =	vadd.s32 v12, v11;
	v6 =	vadd.f32 v9, v6  }
0xc3: {  	v8 =	vcvt.s32.f32 v8;
	v11 =	vadd.s32 v1, v11;
	v9 =	vadd.s32 $0x10, v2  }
0xc4: {  	v7 =	vsub.f32 v18, v7;
	v13 =	vadd.s32 v10, v9;
	v4 =	vadd.f32 v4, v6  }
0xc5: {  	v3 =	vsub.f32 v3, v8;
	v6 =	vcvt.s32.f32 v1;
	v8 =	vadd.s32 v1, v13  }
0xc6: {  	v10 =	vadd.s32 $0x100, v10;
	v14 =	vsub.f32 $1.000000000e+00, v7;
	[tilespmem:s10+$0x13000] =	vst v4  }
0xc7: {  	v4 =	vadd.s32 v12, v13;
	v0 =	vsub.f32 v0, v6;
	v6 =	vsub.f32 $1.000000000e+00, v3;
	v13 =	vld.idx.msk [tilespmem:v5+s1+$0x0], $0xffff  }
0xc8: {  	v2 =	vadd.s32 v2, v10;
	v15 =	vld.idx.msk [tilespmem:v11+s1+$0x0], $0xffff  }
0xc9: {  	v18 =	vadd.s32 v1, v2;
	v16 =	vsub.f32 $1.000000000e+00, v0;
	v17 =	vmul.f32 v14, v6  }
0xca: {  	v6 =	vmul.f32 v7, v6;
	v19 =	vld.idx.msk [tilespmem:v8+s1+$0x0], $0xffff  }
0xcb: {  	v2 =	vadd.s32 v12, v2;
	v20 =	vmul.f32 v17, v0;
	v17 =	vmul.f32 v16, v17  }
0xcc: {  	v9 =	vadd.s32 v10, v9;
	v21 =	vmul.f32 v16, v6;
	v10 =	vld.idx.msk [tilespmem:v4+s1+$0x0], $0xffff  }
0xcd: {  	v1 =	vadd.s32 v1, v9;
	v13 =	vmul.f32 v20, v13;
	v15 =	vmul.f32 v17, v15  }
0xce: {  	v9 =	vadd.s32 v12, v9;
	v12 =	vmul.f32 v14, v3;
	v14 =	vld.idx.msk [tilespmem:v18+s1+$0x0], $0xffff  }
0xcf: {  	v6 =	vmul.f32 v0, v6;
	v13 =	vadd.f32 v13, v15;
	v15 =	vmul.f32 v21, v19  }
0xd0: {  	v19 =	vld.idx.msk [tilespmem:v2+s1+$0x0], $0xffff  }
0xd1: {  	v22 =	vmul.f32 v16, v12;
	v13 =	vadd.f32 v13, v15;
	v10 =	vmul.f32 v6, v10  }
0xd2: {  	v3 =	vmul.f32 v7, v3;
	v7 =	vld.idx.msk [tilespmem:v1+s1+$0x0], $0xffff  }
0xd3: {  	v12 =	vmul.f32 v12, v0;
	v10 =	vadd.f32 v13, v10;
	v13 =	vmul.f32 v22, v14  }
0xd4: {  	v14 =	vld.idx.msk [tilespmem:v9+s1+$0x0], $0xffff  }
0xd5: {  	v15 =	vmul.f32 v16, v3;
	v10 =	vadd.f32 v10, v13;
	v13 =	vmul.f32 v12, v19;
	_ =	sdelay $0x1  }
0xd6: {  	v0 =	vmul.f32 v0, v3;
	v7 =	vmul.f32 v7, v15;
	v3 =	vadd.f32 v10, v13;
	_ =	sdelay $0x1  }
0xd7: {  	v3 =	vadd.f32 v3, v7;
	v7 =	vmul.f32 v14, v0;
	_ =	sdelay $0x1  }
0xd8: {  	v3 =	vadd.f32 v3, v7;
	_ =	sdelay $0x1  }
0xd9: {  	[tilespmem:s14+$0xF000] =	vst v3  }
0xda: {  	v3 =	vld.idx.msk [tilespmem:v5+s0+$0x0], $0xffff  }
0xdb: {  	v7 =	vld.idx.msk [tilespmem:v11+s0+$0x0], $0xffff;
	_ =	sdelay $0x1  }
0xdc: {  	v10 =	vld.idx.msk [tilespmem:v8+s0+$0x0], $0xffff;
	_ =	sdelay $0x1  }
0xdd: {  	v13 =	vld.idx.msk [tilespmem:v4+s0+$0x0], $0xffff  }
0xde: {  	v3 =	vmul.f32 v3, v20;
	v7 =	vmul.f32 v7, v17  }
0xdf: {  	v14 =	vld.idx.msk [tilespmem:v18+s0+$0x0], $0xffff  }
0xe0: {  	v3 =	vadd.f32 v3, v7;
	v7 =	vmul.f32 v10, v21  }
0xe1: {  	v10 =	vld.idx.msk [tilespmem:v2+s0+$0x0], $0xffff  }
0xe2: {  	v3 =	vadd.f32 v7, v3;
	v7 =	vmul.f32 v13, v6  }
0xe3: {  	v13 =	vld.idx.msk [tilespmem:v1+s0+$0x0], $0xffff  }
0xe4: {  	v3 =	vadd.f32 v7, v3;
	v7 =	vmul.f32 v14, v22  }
0xe5: {  	v14 =	vld.idx.msk [tilespmem:v9+s0+$0x0], $0xffff  }
0xe6: {  	v3 =	vadd.f32 v7, v3;
	v7 =	vmul.f32 v10, v12;
	_ =	sdelay $0x1  }
0xe7: {  	v3 =	vadd.f32 v7, v3;
	v7 =	vmul.f32 v13, v15;
	_ =	sdelay $0x1  }
0xe8: {  	v3 =	vadd.f32 v7, v3;
	v7 =	vmul.f32 v14, v0;
	_ =	sdelay $0x1  }
0xe9: {  	v3 =	vadd.f32 v7, v3;
	_ =	sdelay $0x1  }
0xea: {  	[tilespmem:s14+$0x11000] =	vst v3  }
0xeb: {  	v3 =	vld.idx.msk [tilespmem:v11+s2+$0x0], $0xffff  }
0xec: {  	v5 =	vld.idx.msk [tilespmem:v5+s2+$0x0], $0xffff;
	_ =	sdelay $0x1  }
0xed: {  	v7 =	vld.idx.msk [tilespmem:v8+s2+$0x0], $0xffff;
	_ =	sdelay $0x1  }
0xee: {  	v4 =	vld.idx.msk [tilespmem:v4+s2+$0x0], $0xffff  }
0xef: {  	v3 =	vmul.f32 v3, v17;
	v5 =	vmul.f32 v5, v20  }
0xf0: {  	v8 =	vld.idx.msk [tilespmem:v18+s2+$0x0], $0xffff  }
0xf1: {  	v7 =	vmul.f32 v7, v21;
	v3 =	vadd.f32 v5, v3  }
0xf2: {  	v2 =	vld.idx.msk [tilespmem:v2+s2+$0x0], $0xffff  }
0xf3: {  	v4 =	vmul.f32 v4, v6;
	v3 =	vadd.f32 v7, v3  }
0xf4: {  	v1 =	vld.idx.msk [tilespmem:v1+s2+$0x0], $0xffff  }
0xf5: {  	v5 =	vmul.f32 v8, v22;
	v3 =	vadd.f32 v4, v3  }
0xf6: {  	v4 =	vld.idx.msk [tilespmem:v9+s2+$0x0], $0xffff  }
0xf7: {  	v2 =	vmul.f32 v2, v12;
	v3 =	vadd.f32 v5, v3;
	_ =	sdelay $0x1  }
0xf8: {  	v1 =	vmul.f32 v1, v15;
	v2 =	vadd.f32 v2, v3;
	_ =	sdelay $0x1  }
0xf9: {  	v0 =	vmul.f32 v4, v0;
	v1 =	vadd.f32 v1, v2;
	_ =	sdelay $0x1  }
0xfa: {  	v0 =	vadd.f32 v0, v1;
	_ =	sdelay $0x1  }
0xfb: {  	s11 =	rddreg [dreg:$0x9];
	s15 =	simm.s32 $0xF000;
	s10 =	simm.s32 $0x0;
	[tilespmem:s14+$0x13000] =	vst v0  }
0xfc: {  	[hbm4b:s11+s10] =	stream.linear.scatter [tilespmem:s15], [sflag:$0x3], $0x2000, $0x38;
	[tilespmem:$0x1B000] =	vst v63  }
0xfd: {  	s14 =	rddreg [dreg:$0xa];
	s15 =	simm.s32 $0x11000  }
0xfe: {  	[hbm4b:s14+s10] =	stream.linear.scatter [tilespmem:s15], [sflag:$0x3], $0x2000, $0x38;
	[tilespmem:$0x1B000] =	vst v63  }
0xff: {  	s15 =	rddreg [dreg:$0xb]  }
0x100: {  	[hbm4b:s15+s10] =	stream.linear.scatter [tilespmem:s3], [sflag:$0x3], $0x2000, $0x38;
	[tilespmem:$0x1B000] =	vst v63  }
0x101: {  	s14 =	rddreg [dreg:$0xc];
	s15 =	simm.s32 $0x3000  }
0x102: {  	[tilespmem:s15], [sflag:$0x1] =	stream.linear.gather [hbm4b:s14+s10], $0x2000, $0x38;
	[tilespmem:$0x1B000] =	vst v63  }
0x103: {  	s14 =	rddreg [dreg:$0xd];
	s15 =	simm.s32 $0x5000  }
0x104: {  	[tilespmem:s15], [sflag:$0x1] =	stream.linear.gather [hbm4b:s14+s10], $0x2000, $0x38;
	[tilespmem:$0x1B000] =	vst v63  }
0x105: {  	s15 =	simm.s32 $0x7000  }
0x106: {  	[tilespmem:s15], [sflag:$0x1] =	stream.linear.gather [hbm4b:s16+s10], $0x2000, $0x38;
	[tilespmem:$0x1B000] =	vst v63  }
0x107: {  	_ =	swait.ge [sflag:s4], $0x2000  }
0x108: {  	[sflag:s4] =	ssyncset.done $0x0  }
0x109: {  	[sflag:s4] =	ssyncadd.s32 $0xFFFFE000  }
0x10a: {  	_ =	swait.ge [sflag:s4], $0x2000  }
0x10b: {  	[sflag:s4] =	ssyncset.done $0x0  }
0x10c: {  	[sflag:s4] =	ssyncadd.s32 $0xFFFFE000  }
0x10d: {  	_ =	swait.ge [sflag:s4], $0x2000  }
0x10e: {  	[sflag:s4] =	ssyncset.done $0x0  }
0x10f: {  	s10 =	simm.s32 $0x0;
	[sflag:s4] =	ssyncadd.s32 $0xFFFFE000  }
0x110: {  	v0 =	vld [tilespmem:s10+$0xB000]  }
0x111: {  	v1 =	vld [tilespmem:s10+$0x9000]  }
0x112: {  	v2 =	vld [tilespmem:s10+$0xD000];
	_ =	sdelay $0x2  }
0x113: {  	v0 =	vmul.f32 $1.500000000e+01, v0  }
0x114: {  	v1 =	vmul.f32 $1.500000000e+01, v1  }
0x115: {  	v2 =	vmul.f32 $1.500000000e+01, v2;
	v3 =	vtrunc.f32 v0  }
0x116: {  	v3 =	vcvt.f32.s32 v3  }
0x117: {  	v4 =	vtrunc.f32 v1;
	v7 =	vtrunc.f32 v2  }
0x118: {  	v6 =	vcvt.f32.s32 v4;
	v5 =	vcvt.s32.f32 v3  }
0x119: {  	s14 =	simm.s32 $0x10;
	v15 =	vcvt.f32.s32 v7  }
0x11a: {  	v10 =	vld [tilespmem:s14+$0x9000];
	v12 =	vshll.u32 v3, $0x4;
	v4 =	vsub.f32 v0, v5;
	v0 =	vcvt.s32.f32 v6  }
0x11b: {  	v3 =	vld [tilespmem:s14+$0xD000];
	v17 =	vadd.s32 $0x1, v15;
	v9 =	vadd.s32 $0x10, v12;
	v5 =	vshll.u32 v6, $0x8  }
0x11c: {  	v14 =	vadd.s32 $0x100, v5;
	v8 =	vadd.s32 v5, v12;
	v19 =	vsub.f32 v1, v0;
	v1 =	vld [tilespmem:s14+$0xB000]  }
0x11d: {  	v5 =	vadd.s32 v5, v9;
	v7 =	vsub.f32 $1.000000000e+00, v4;
	v0 =	vcvt.s32.f32 v15  }
0x11e: {  	v6 =	vadd.s32 v17, v8;
	v13 =	vadd.s32 v14, v9;
	v11 =	vadd.s32 v15, v8  }
0x11f: {  	v9 =	vadd.s32 v15, v5;
	v8 =	vadd.s32 v17, v5;
	v28 =	vadd.s32 v12, v14  }
0x120: {  	v16 =	vsub.f32 $1.000000000e+00, v19;
	v20 =	vsub.f32 v2, v0;
	v0 =	vmul.f32 $1.500000000e+01, v3  }
0x121: {  	v5 =	vadd.s32 v17, v13;
	v3 =	vmul.f32 $1.500000000e+01, v10;
	v18 =	vmul.f32 $1.500000000e+01, v1  }
0x122: {  	v17 =	vadd.s32 v17, v28;
	v2 =	vmul.f32 v7, v16;
	v23 =	vmul.f32 v4, v16  }
0x123: {  	v21 =	vsub.f32 $1.000000000e+00, v20;
	v12 =	vtrunc.f32 v3;
	v25 =	vld.idx.msk [tilespmem:v6+s1+$0x0], $0xffff;
	v16 =	vtrunc.f32 v18  }
0x124: {  	v1 =	vtrunc.f32 v0;
	v26 =	vld.idx.msk [tilespmem:v11+s1+$0x0], $0xffff;
	v22 =	vcvt.f32.s32 v16;
	v16 =	vadd.s32 v15, v28  }
0x125: {  	v10 =	vadd.s32 v15, v13;
	v24 =	vld.idx.msk [tilespmem:v8+s1+$0x0], $0xffff;
	v13 =	vmul.f32 v2, v20;
	v14 =	vmul.f32 v21, v2  }
0x126: {  	s15 =	simm.s32 $0x80;
	v27 =	vld.idx.msk [tilespmem:v9+s1+$0x0], $0xffff;
	v1 =	vcvt.f32.s32 v1;
	v15 =	vmul.f32 v21, v23;
	v2 =	vshll.u32 v22, $0x4  }
.LBB2_4:
0x127: {  	p0 =	sne.s32 s15, $0x7FC0;
	v22 =	vcvt.s32.f32 v22;
	v28 =	vmul.f32 v7, v19;
	s11 =	smov.u32 s15;
	s15 =	sadd.s32 $0x40, s15  }
0x128: {  	v23 =	vmul.f32 v20, v23;
	v25 =	vmul.f32 v13, v25  }
0x129: {  	v18 =	vsub.f32 v18, v22;
	v22 =	vmul.f32 v14, v26;
	v26 =	vld.idx.msk [tilespmem:v16+s1+$0x0], $0xffff  }
0x12a: {  	v29 =	vmul.f32 v21, v28  }
0x12b: {  	v7 =	vsub.f32 $1.000000000e+00, v18;
	v22 =	vadd.f32 v25, v22;
	v25 =	vmul.f32 v15, v27;
	v27 =	vld.idx.msk [tilespmem:v17+s1+$0x0], $0xffff  }
0x12c: {  	v19 =	vmul.f32 v4, v19;
	v28 =	vmul.f32 v28, v20;
	v4 =	vmov v18  }
0x12d: {  	v18 =	vadd.f32 v22, v25;
	v22 =	vmul.f32 v23, v24;
	v24 =	vld.idx.msk [tilespmem:v10+s1+$0x0], $0xffff  }
0x12e: {  	v21 =	vmul.f32 v21, v19  }
0x12f: {  	v18 =	vadd.f32 v18, v22;
	v22 =	vmul.f32 v29, v26;
	v25 =	vld.idx.msk [tilespmem:v5+s1+$0x0], $0xffff  }
0x130: {  	v19 =	vmul.f32 v20, v19  }
0x131: {  	v20 =	vmul.f32 v28, v27;
	v18 =	vadd.f32 v18, v22;
	_ =	sdelay $0x1  }
0x132: {  	v18 =	vadd.f32 v18, v20;
	v20 =	vmul.f32 v24, v21;
	_ =	sdelay $0x1  }
0x133: {  	v18 =	vadd.f32 v18, v20;
	v20 =	vmul.f32 v25, v19;
	_ =	sdelay $0x1  }
0x134: {  	v18 =	vadd.f32 v18, v20;
	_ =	sdelay $0x1  }
0x135: {  	[tilespmem:s10+$0x15000] =	vst v18  }
0x136: {  	v18 =	vld.idx.msk [tilespmem:v6+s0+$0x0], $0xffff  }
0x137: {  	v20 =	vld.idx.msk [tilespmem:v11+s0+$0x0], $0xffff;
	_ =	sdelay $0x1  }
0x138: {  	v22 =	vld.idx.msk [tilespmem:v9+s0+$0x0], $0xffff;
	_ =	sdelay $0x1  }
0x139: {  	v24 =	vld.idx.msk [tilespmem:v8+s0+$0x0], $0xffff  }
0x13a: {  	v18 =	vmul.f32 v18, v13  }
0x13b: {  	v20 =	vmul.f32 v20, v14;
	v25 =	vld.idx.msk [tilespmem:v16+s0+$0x0], $0xffff;
	_ =	sdelay $0x1  }
0x13c: {  	v18 =	vadd.f32 v18, v20;
	v20 =	vmul.f32 v22, v15;
	v22 =	vld.idx.msk [tilespmem:v17+s0+$0x0], $0xffff;
	_ =	sdelay $0x1  }
0x13d: {  	v18 =	vadd.f32 v20, v18;
	v20 =	vmul.f32 v24, v23;
	v24 =	vld.idx.msk [tilespmem:v10+s0+$0x0], $0xffff;
	_ =	sdelay $0x1  }
0x13e: {  	v18 =	vadd.f32 v20, v18;
	v20 =	vmul.f32 v25, v29;
	v25 =	vld.idx.msk [tilespmem:v5+s0+$0x0], $0xffff;
	_ =	sdelay $0x1  }
0x13f: {  	v18 =	vadd.f32 v20, v18;
	v20 =	vmul.f32 v22, v28;
	_ =	sdelay $0x1  }
0x140: {  	v18 =	vadd.f32 v20, v18;
	v20 =	vmul.f32 v24, v21;
	_ =	sdelay $0x1  }
0x141: {  	v18 =	vadd.f32 v20, v18;
	v20 =	vmul.f32 v25, v19;
	_ =	sdelay $0x1  }
0x142: {  	v18 =	vadd.f32 v20, v18;
	_ =	sdelay $0x1  }
0x143: {  	[tilespmem:s10+$0x17000] =	vst v18  }
0x144: {  	v11 =	vld.idx.msk [tilespmem:v11+s2+$0x0], $0xffff  }
0x145: {  	v6 =	vld.idx.msk [tilespmem:v6+s2+$0x0], $0xffff  }
0x146: {  	v9 =	vld.idx.msk [tilespmem:v9+s2+$0x0], $0xffff  }
0x147: {  	v8 =	vld.idx.msk [tilespmem:v8+s2+$0x0], $0xffff  }
0x148: {  	v16 =	vld.idx.msk [tilespmem:v16+s2+$0x0], $0xffff  }
0x149: {  	v17 =	vld.idx.msk [tilespmem:v17+s2+$0x0], $0xffff  }
0x14a: {  	v11 =	vmul.f32 v11, v14;
	v10 =	vld.idx.msk [tilespmem:v10+s2+$0x0], $0xffff  }
0x14b: {  	v6 =	vmul.f32 v6, v13;
	v5 =	vld.idx.msk [tilespmem:v5+s2+$0x0], $0xffff  }
0x14c: {  	v9 =	vmul.f32 v9, v15  }
0x14d: {  	v6 =	vadd.f32 v6, v11;
	v8 =	vmul.f32 v8, v23  }
0x14e: {  	v11 =	vmul.f32 v16, v29  }
0x14f: {  	v6 =	vadd.f32 v9, v6;
	v9 =	vmul.f32 v17, v28  }
0x150: {  	v12 =	vcvt.f32.s32 v12;
	v10 =	vmul.f32 v10, v21  }
0x151: {  	v6 =	vadd.f32 v8, v6;
	v13 =	vmul.f32 v5, v19  }
0x152: {  	v5 =	vcvt.s32.f32 v12;
	v8 =	vshll.u32 v12, $0x8  }
0x153: {  	s11 =	sshra.s32 s11, $0x2;
	v12 =	vadd.s32 $0x100, v8;
	v14 =	vadd.s32 v8, v2;
	v11 =	vadd.f32 v11, v6  }
0x154: {  	v17 =	vadd.s32 $0x1, v1;
	v19 =	vsub.f32 v3, v5;
	v3 =	vcvt.s32.f32 v1;
	v15 =	vld [tilespmem:s11+$0xD000]  }
0x155: {  	v5 =	vadd.s32 $0x10, v2;
	v6 =	vadd.s32 v17, v14;
	v18 =	vadd.f32 v9, v11;
	v16 =	vld [tilespmem:s11+$0xB000]  }
0x156: {  	v8 =	vadd.s32 v8, v5;
	v21 =	vadd.s32 v12, v5;
	v11 =	vadd.s32 v1, v14;
	v22 =	vld [tilespmem:s11+$0x9000]  }
0x157: {  	v9 =	vadd.s32 v1, v8;
	v8 =	vadd.s32 v17, v8;
	v14 =	vadd.f32 v10, v18  }
0x158: {  	v20 =	vsub.f32 v0, v3;
	v5 =	vadd.s32 v17, v21;
	v3 =	vsub.f32 $1.000000000e+00, v19  }
0x159: {  	v10 =	vadd.s32 v1, v21;
	v13 =	vadd.f32 v13, v14;
	v0 =	vmul.f32 $1.500000000e+01, v15  }
0x15a: {  	v21 =	vsub.f32 $1.000000000e+00, v20;
	v23 =	vmul.f32 v4, v3;
	v14 =	vmul.f32 v7, v3  }
0x15b: {  	v18 =	vmul.f32 $1.500000000e+01, v16;
	v3 =	vmul.f32 $1.500000000e+01, v22;
	[tilespmem:s10+$0x19000] =	vst v13;
	s10 =	smov.u32 s14;
	s14 =	smov.u32 s11  }
.Ltmp1:
0x15c: {  	v15 =	vtrunc.f32 v0;
	v13 =	vmul.f32 v14, v20;
	v25 =	vld.idx.msk [tilespmem:v6+s1+$0x0], $0xffff;
	(pc) =	sbr.rel @p0 .LBB2_4-.Ltmp1, $4  }
0x15d: {  	v28 =	vadd.s32 v2, v12;
	v14 =	vmul.f32 v21, v14;
	v16 =	vtrunc.f32 v18;
	v26 =	vld.idx.msk [tilespmem:v11+s1+$0x0], $0xffff  }
0x15e: {  	v12 =	vtrunc.f32 v3;
	v22 =	vcvt.f32.s32 v16;
	v16 =	vadd.s32 v1, v28;
	v24 =	vld.idx.msk [tilespmem:v8+s1+$0x0], $0xffff  }
0x15f: {  	v1 =	vcvt.f32.s32 v15;
	v15 =	vmul.f32 v21, v23;
	v27 =	vld.idx.msk [tilespmem:v9+s1+$0x0], $0xffff  }
0x160: {  	v17 =	vadd.s32 v17, v28;
	v2 =	vshll.u32 v22, $0x4  }
0x161: {  	_ =	sdelay $0x2  }
0x162: {  	v25 =	vmul.f32 v13, v25;
	v26 =	vmul.f32 v14, v26  }
0x163: {  	v7 =	vmul.f32 v7, v19;
	v28 =	vld.idx.msk [tilespmem:v16+s1+$0x0], $0xffff  }
0x164: {  	v23 =	vmul.f32 v20, v23;
	v25 =	vadd.f32 v25, v26;
	v26 =	vmul.f32 v15, v27  }
0x165: {  	v27 =	vld.idx.msk [tilespmem:v17+s1+$0x0], $0xffff  }
0x166: {  	v29 =	vmul.f32 v21, v7;
	v24 =	vmul.f32 v23, v24;
	v25 =	vadd.f32 v25, v26  }
0x167: {  	v4 =	vmul.f32 v4, v19;
	v19 =	vld.idx.msk [tilespmem:v10+s1+$0x0], $0xffff  }
0x168: {  	v7 =	vmul.f32 v7, v20;
	v24 =	vadd.f32 v25, v24;
	v25 =	vmul.f32 v29, v28  }
0x169: {  	v26 =	vld.idx.msk [tilespmem:v5+s1+$0x0], $0xffff  }
0x16a: {  	v21 =	vmul.f32 v21, v4;
	v24 =	vadd.f32 v24, v25;
	v25 =	vmul.f32 v7, v27;
	_ =	sdelay $0x1  }
0x16b: {  	v4 =	vmul.f32 v20, v4;
	v19 =	vmul.f32 v19, v21;
	v20 =	vadd.f32 v24, v25;
	_ =	sdelay $0x1  }
0x16c: {  	v19 =	vadd.f32 v20, v19;
	v20 =	vmul.f32 v26, v4;
	_ =	sdelay $0x1  }
0x16d: {  	v19 =	vadd.f32 v19, v20;
	_ =	sdelay $0x1  }
0x16e: {  	[tilespmem:s10+$0x15000] =	vst v19  }
0x16f: {  	v19 =	vld.idx.msk [tilespmem:v6+s0+$0x0], $0xffff  }
0x170: {  	v20 =	vld.idx.msk [tilespmem:v11+s0+$0x0], $0xffff;
	_ =	sdelay $0x1  }
0x171: {  	v24 =	vld.idx.msk [tilespmem:v9+s0+$0x0], $0xffff;
	_ =	sdelay $0x1  }
0x172: {  	v25 =	vld.idx.msk [tilespmem:v8+s0+$0x0], $0xffff  }
0x173: {  	v19 =	vmul.f32 v19, v13;
	v20 =	vmul.f32 v20, v14  }
0x174: {  	v26 =	vld.idx.msk [tilespmem:v16+s0+$0x0], $0xffff  }
0x175: {  	v19 =	vadd.f32 v19, v20;
	v20 =	vmul.f32 v24, v15  }
0x176: {  	v24 =	vld.idx.msk [tilespmem:v17+s0+$0x0], $0xffff  }
0x177: {  	v19 =	vadd.f32 v20, v19;
	v20 =	vmul.f32 v25, v23  }
0x178: {  	v25 =	vld.idx.msk [tilespmem:v10+s0+$0x0], $0xffff  }
0x179: {  	v19 =	vadd.f32 v20, v19;
	v20 =	vmul.f32 v26, v29  }
0x17a: {  	v26 =	vld.idx.msk [tilespmem:v5+s0+$0x0], $0xffff  }
0x17b: {  	v19 =	vadd.f32 v20, v19;
	v20 =	vmul.f32 v24, v7;
	_ =	sdelay $0x1  }
0x17c: {  	v19 =	vadd.f32 v20, v19;
	v20 =	vmul.f32 v25, v21;
	_ =	sdelay $0x1  }
0x17d: {  	v19 =	vadd.f32 v20, v19;
	v20 =	vmul.f32 v26, v4;
	_ =	sdelay $0x1  }
0x17e: {  	v19 =	vadd.f32 v20, v19;
	_ =	sdelay $0x1  }
0x17f: {  	[tilespmem:s10+$0x17000] =	vst v19  }
0x180: {  	v11 =	vld.idx.msk [tilespmem:v11+s2+$0x0], $0xffff  }
0x181: {  	v6 =	vld.idx.msk [tilespmem:v6+s2+$0x0], $0xffff;
	_ =	sdelay $0x1  }
0x182: {  	v9 =	vld.idx.msk [tilespmem:v9+s2+$0x0], $0xffff;
	_ =	sdelay $0x1  }
0x183: {  	v8 =	vld.idx.msk [tilespmem:v8+s2+$0x0], $0xffff  }
0x184: {  	v11 =	vmul.f32 v11, v14;
	v6 =	vmul.f32 v6, v13  }
0x185: {  	v13 =	vld.idx.msk [tilespmem:v16+s2+$0x0], $0xffff  }
0x186: {  	v9 =	vmul.f32 v9, v15;
	v6 =	vadd.f32 v6, v11  }
0x187: {  	v11 =	vld.idx.msk [tilespmem:v17+s2+$0x0], $0xffff  }
0x188: {  	v8 =	vmul.f32 v8, v23;
	v6 =	vadd.f32 v9, v6  }
0x189: {  	v9 =	vld.idx.msk [tilespmem:v10+s2+$0x0], $0xffff  }
0x18a: {  	v5 =	vld.idx.msk [tilespmem:v5+s2+$0x0], $0xffff;
	v10 =	vmul.f32 v13, v29;
	v6 =	vadd.f32 v8, v6;
	_ =	sdelay $0x1  }
0x18b: {  	v8 =	vcvt.f32.s32 v12;
	v7 =	vmul.f32 v11, v7;
	v6 =	vadd.f32 v10, v6;
	_ =	sdelay $0x1  }
0x18c: {  	v10 =	vshll.u32 v8, $0x8;
	v9 =	vmul.f32 v9, v21;
	v6 =	vadd.f32 v7, v6  }
0x18d: {  	v4 =	vmul.f32 v5, v4;
	v12 =	vadd.s32 $0x1, v1;
	v11 =	vadd.s32 v10, v2  }
0x18e: {  	v7 =	vcvt.s32.f32 v22;
	v5 =	vadd.s32 v12, v11;
	v6 =	vadd.f32 v9, v6  }
0x18f: {  	v8 =	vcvt.s32.f32 v8;
	v11 =	vadd.s32 v1, v11;
	v9 =	vadd.s32 $0x10, v2  }
0x190: {  	v7 =	vsub.f32 v18, v7;
	v13 =	vadd.s32 v10, v9;
	v4 =	vadd.f32 v4, v6  }
0x191: {  	v3 =	vsub.f32 v3, v8;
	v6 =	vcvt.s32.f32 v1;
	v8 =	vadd.s32 v1, v13  }
0x192: {  	v10 =	vadd.s32 $0x100, v10;
	v14 =	vsub.f32 $1.000000000e+00, v7;
	[tilespmem:s10+$0x19000] =	vst v4  }
0x193: {  	v4 =	vadd.s32 v12, v13;
	v0 =	vsub.f32 v0, v6;
	v6 =	vsub.f32 $1.000000000e+00, v3;
	v13 =	vld.idx.msk [tilespmem:v5+s1+$0x0], $0xffff  }
0x194: {  	v2 =	vadd.s32 v2, v10;
	v15 =	vld.idx.msk [tilespmem:v11+s1+$0x0], $0xffff  }
0x195: {  	v18 =	vadd.s32 v1, v2;
	v16 =	vsub.f32 $1.000000000e+00, v0;
	v17 =	vmul.f32 v14, v6  }
0x196: {  	v6 =	vmul.f32 v7, v6;
	v19 =	vld.idx.msk [tilespmem:v8+s1+$0x0], $0xffff  }
0x197: {  	v2 =	vadd.s32 v12, v2;
	v20 =	vmul.f32 v17, v0;
	v17 =	vmul.f32 v16, v17  }
0x198: {  	v9 =	vadd.s32 v10, v9;
	v21 =	vmul.f32 v16, v6;
	v10 =	vld.idx.msk [tilespmem:v4+s1+$0x0], $0xffff  }
0x199: {  	v1 =	vadd.s32 v1, v9;
	v13 =	vmul.f32 v20, v13;
	v15 =	vmul.f32 v17, v15  }
0x19a: {  	v9 =	vadd.s32 v12, v9;
	v12 =	vmul.f32 v14, v3;
	v14 =	vld.idx.msk [tilespmem:v18+s1+$0x0], $0xffff  }
0x19b: {  	v6 =	vmul.f32 v0, v6;
	v13 =	vadd.f32 v13, v15;
	v15 =	vmul.f32 v21, v19  }
0x19c: {  	v19 =	vld.idx.msk [tilespmem:v2+s1+$0x0], $0xffff  }
0x19d: {  	v22 =	vmul.f32 v16, v12;
	v13 =	vadd.f32 v13, v15;
	v10 =	vmul.f32 v6, v10  }
0x19e: {  	v3 =	vmul.f32 v7, v3;
	v7 =	vld.idx.msk [tilespmem:v1+s1+$0x0], $0xffff  }
0x19f: {  	v12 =	vmul.f32 v12, v0;
	v10 =	vadd.f32 v13, v10;
	v13 =	vmul.f32 v22, v14  }
0x1a0: {  	v14 =	vld.idx.msk [tilespmem:v9+s1+$0x0], $0xffff  }
0x1a1: {  	v15 =	vmul.f32 v16, v3;
	v10 =	vadd.f32 v10, v13;
	v13 =	vmul.f32 v12, v19;
	_ =	sdelay $0x1  }
0x1a2: {  	v0 =	vmul.f32 v0, v3;
	v7 =	vmul.f32 v7, v15;
	v3 =	vadd.f32 v10, v13;
	_ =	sdelay $0x1  }
0x1a3: {  	v3 =	vadd.f32 v3, v7;
	v7 =	vmul.f32 v14, v0;
	_ =	sdelay $0x1  }
0x1a4: {  	v3 =	vadd.f32 v3, v7;
	_ =	sdelay $0x1  }
0x1a5: {  	[tilespmem:s14+$0x15000] =	vst v3  }
0x1a6: {  	v3 =	vld.idx.msk [tilespmem:v5+s0+$0x0], $0xffff  }
0x1a7: {  	v7 =	vld.idx.msk [tilespmem:v11+s0+$0x0], $0xffff;
	_ =	sdelay $0x1  }
0x1a8: {  	v10 =	vld.idx.msk [tilespmem:v8+s0+$0x0], $0xffff;
	_ =	sdelay $0x1  }
0x1a9: {  	v13 =	vld.idx.msk [tilespmem:v4+s0+$0x0], $0xffff  }
0x1aa: {  	v3 =	vmul.f32 v3, v20;
	v7 =	vmul.f32 v7, v17  }
0x1ab: {  	v14 =	vld.idx.msk [tilespmem:v18+s0+$0x0], $0xffff  }
0x1ac: {  	v3 =	vadd.f32 v3, v7;
	v7 =	vmul.f32 v10, v21  }
0x1ad: {  	v10 =	vld.idx.msk [tilespmem:v2+s0+$0x0], $0xffff  }
0x1ae: {  	v3 =	vadd.f32 v7, v3;
	v7 =	vmul.f32 v13, v6  }
0x1af: {  	v13 =	vld.idx.msk [tilespmem:v1+s0+$0x0], $0xffff  }
0x1b0: {  	v3 =	vadd.f32 v7, v3;
	v7 =	vmul.f32 v14, v22  }
0x1b1: {  	v14 =	vld.idx.msk [tilespmem:v9+s0+$0x0], $0xffff  }
0x1b2: {  	v3 =	vadd.f32 v7, v3;
	v7 =	vmul.f32 v10, v12;
	_ =	sdelay $0x1  }
0x1b3: {  	v3 =	vadd.f32 v7, v3;
	v7 =	vmul.f32 v13, v15;
	_ =	sdelay $0x1  }
0x1b4: {  	v3 =	vadd.f32 v7, v3;
	v7 =	vmul.f32 v14, v0;
	_ =	sdelay $0x1  }
0x1b5: {  	v3 =	vadd.f32 v7, v3;
	_ =	sdelay $0x1  }
0x1b6: {  	[tilespmem:s14+$0x17000] =	vst v3  }
0x1b7: {  	v3 =	vld.idx.msk [tilespmem:v11+s2+$0x0], $0xffff  }
0x1b8: {  	v5 =	vld.idx.msk [tilespmem:v5+s2+$0x0], $0xffff;
	_ =	sdelay $0x1  }
0x1b9: {  	v7 =	vld.idx.msk [tilespmem:v8+s2+$0x0], $0xffff;
	_ =	sdelay $0x1  }
0x1ba: {  	v4 =	vld.idx.msk [tilespmem:v4+s2+$0x0], $0xffff  }
0x1bb: {  	v3 =	vmul.f32 v3, v17;
	v5 =	vmul.f32 v5, v20  }
0x1bc: {  	v8 =	vld.idx.msk [tilespmem:v18+s2+$0x0], $0xffff  }
0x1bd: {  	v7 =	vmul.f32 v7, v21;
	v3 =	vadd.f32 v5, v3  }
0x1be: {  	v2 =	vld.idx.msk [tilespmem:v2+s2+$0x0], $0xffff  }
0x1bf: {  	v4 =	vmul.f32 v4, v6;
	v3 =	vadd.f32 v7, v3  }
0x1c0: {  	v1 =	vld.idx.msk [tilespmem:v1+s2+$0x0], $0xffff  }
0x1c1: {  	v5 =	vmul.f32 v8, v22;
	v3 =	vadd.f32 v4, v3  }
0x1c2: {  	v4 =	vld.idx.msk [tilespmem:v9+s2+$0x0], $0xffff  }
0x1c3: {  	v2 =	vmul.f32 v2, v12;
	v3 =	vadd.f32 v5, v3;
	_ =	sdelay $0x1  }
0x1c4: {  	v1 =	vmul.f32 v1, v15;
	v2 =	vadd.f32 v2, v3;
	_ =	sdelay $0x1  }
0x1c5: {  	v0 =	vmul.f32 v4, v0;
	v1 =	vadd.f32 v1, v2;
	_ =	sdelay $0x1  }
0x1c6: {  	v0 =	vadd.f32 v0, v1;
	_ =	sdelay $0x1  }
0x1c7: {  	s11 =	rddreg [dreg:$0xe];
	s10 =	simm.s32 $0x0;
	[tilespmem:s14+$0x19000] =	vst v0  }
0x1c8: {  	[hbm4b:s11+s10] =	stream.linear.scatter [tilespmem:s5], [sflag:$0x4], $0x2000, $0x38;
	[tilespmem:$0x1B000] =	vst v63  }
0x1c9: {  	s15 =	rddreg [dreg:$0xf]  }
0x1ca: {  	[hbm4b:s15+s10] =	stream.linear.scatter [tilespmem:s6], [sflag:$0x4], $0x2000, $0x38;
	[tilespmem:$0x1B000] =	vst v63  }
0x1cb: {  	s14 =	rddreg [dreg:$0x10]  }
0x1cc: {  	[hbm4b:s14+s10] =	stream.linear.scatter [tilespmem:s12], [sflag:$0x4], $0x2000, $0x38;
	[tilespmem:$0x1B000] =	vst v63  }
0x1cd: {  	s15 =	simm.s32 $0x9000  }
0x1ce: {  	[tilespmem:s15], [sflag:$0x2] =	stream.linear.gather [hbm4b:s17+s10], $0x2000, $0x38;
	[tilespmem:$0x1B000] =	vst v63  }
0x1cf: {  	s14 =	simm.s32 $0xB000  }
0x1d0: {  	[tilespmem:s14], [sflag:$0x2] =	stream.linear.gather [hbm4b:s19+s10], $0x2000, $0x38;
	[tilespmem:$0x1B000] =	vst v63  }
0x1d1: {  	s15 =	simm.s32 $0xD000  }
0x1d2: {  	[tilespmem:s15], [sflag:$0x2] =	stream.linear.gather [hbm4b:s20+s10], $0x2000, $0x38;
	[tilespmem:$0x1B000] =	vst v63  }
0x1d3: {  	_ =	swait.ge [sflag:s9], $0x2000  }
0x1d4: {  	[sflag:s9] =	ssyncset.done $0x0  }
0x1d5: {  	[sflag:s9] =	ssyncadd.s32 $0xFFFFE000  }
0x1d6: {  	_ =	swait.ge [sflag:s9], $0x2000  }
0x1d7: {  	[sflag:s9] =	ssyncset.done $0x0  }
0x1d8: {  	[sflag:s9] =	ssyncadd.s32 $0xFFFFE000  }
0x1d9: {  	_ =	swait.ge [sflag:s9], $0x2000  }
0x1da: {  	[sflag:s9] =	ssyncset.done $0x0  }
0x1db: {  	[sflag:s9] =	ssyncadd.s32 $0xFFFFE000  }
0x1dc: {  	_ =	swait.ge [sflag:s7], $0x2000  }
0x1dd: {  	[sflag:s7] =	ssyncset.done $0x0  }
0x1de: {  	[sflag:s7] =	ssyncadd.s32 $0xFFFFE000  }
0x1df: {  	_ =	swait.ge [sflag:s7], $0x2000  }
0x1e0: {  	[sflag:s7] =	ssyncset.done $0x0  }
0x1e1: {  	[sflag:s7] =	ssyncadd.s32 $0xFFFFE000  }
0x1e2: {  	_ =	swait.ge [sflag:s7], $0x2000  }
0x1e3: {  	[sflag:s7] =	ssyncset.done $0x0  }
0x1e4: {  	s10 =	simm.s32 $0x0;
	[sflag:s7] =	ssyncadd.s32 $0xFFFFE000  }
0x1e5: {  	v0 =	vld [tilespmem:s10+$0x5000]  }
0x1e6: {  	v1 =	vld [tilespmem:s10+$0x3000]  }
0x1e7: {  	v2 =	vld [tilespmem:s10+$0x7000];
	_ =	sdelay $0x2  }
0x1e8: {  	v0 =	vmul.f32 $1.500000000e+01, v0  }
0x1e9: {  	v1 =	vmul.f32 $1.500000000e+01, v1  }
0x1ea: {  	v2 =	vmul.f32 $1.500000000e+01, v2;
	v3 =	vtrunc.f32 v0  }
0x1eb: {  	v3 =	vcvt.f32.s32 v3  }
0x1ec: {  	v4 =	vtrunc.f32 v1;
	v7 =	vtrunc.f32 v2  }
0x1ed: {  	v6 =	vcvt.f32.s32 v4;
	v5 =	vcvt.s32.f32 v3  }
0x1ee: {  	s14 =	simm.s32 $0x10;
	v15 =	vcvt.f32.s32 v7  }
0x1ef: {  	v10 =	vld [tilespmem:s14+$0x3000];
	v12 =	vshll.u32 v3, $0x4;
	v4 =	vsub.f32 v0, v5;
	v0 =	vcvt.s32.f32 v6  }
0x1f0: {  	v3 =	vld [tilespmem:s14+$0x7000];
	v17 =	vadd.s32 $0x1, v15;
	v9 =	vadd.s32 $0x10, v12;
	v5 =	vshll.u32 v6, $0x8  }
0x1f1: {  	v14 =	vadd.s32 $0x100, v5;
	v8 =	vadd.s32 v5, v12;
	v19 =	vsub.f32 v1, v0;
	v1 =	vld [tilespmem:s14+$0x5000]  }
0x1f2: {  	v5 =	vadd.s32 v5, v9;
	v7 =	vsub.f32 $1.000000000e+00, v4;
	v0 =	vcvt.s32.f32 v15  }
0x1f3: {  	v6 =	vadd.s32 v17, v8;
	v13 =	vadd.s32 v14, v9;
	v11 =	vadd.s32 v15, v8  }
0x1f4: {  	v9 =	vadd.s32 v15, v5;
	v8 =	vadd.s32 v17, v5;
	v28 =	vadd.s32 v12, v14  }
0x1f5: {  	v16 =	vsub.f32 $1.000000000e+00, v19;
	v20 =	vsub.f32 v2, v0;
	v0 =	vmul.f32 $1.500000000e+01, v3  }
0x1f6: {  	v5 =	vadd.s32 v17, v13;
	v3 =	vmul.f32 $1.500000000e+01, v10;
	v18 =	vmul.f32 $1.500000000e+01, v1  }
0x1f7: {  	v17 =	vadd.s32 v17, v28;
	v2 =	vmul.f32 v7, v16;
	v23 =	vmul.f32 v4, v16  }
0x1f8: {  	v21 =	vsub.f32 $1.000000000e+00, v20;
	v12 =	vtrunc.f32 v3;
	v25 =	vld.idx.msk [tilespmem:v6+s1+$0x0], $0xffff;
	v16 =	vtrunc.f32 v18  }
0x1f9: {  	v1 =	vtrunc.f32 v0;
	v26 =	vld.idx.msk [tilespmem:v11+s1+$0x0], $0xffff;
	v22 =	vcvt.f32.s32 v16;
	v16 =	vadd.s32 v15, v28  }
0x1fa: {  	v10 =	vadd.s32 v15, v13;
	v24 =	vld.idx.msk [tilespmem:v8+s1+$0x0], $0xffff;
	v13 =	vmul.f32 v2, v20;
	v14 =	vmul.f32 v21, v2  }
0x1fb: {  	s15 =	simm.s32 $0x80;
	v27 =	vld.idx.msk [tilespmem:v9+s1+$0x0], $0xffff;
	v1 =	vcvt.f32.s32 v1;
	v15 =	vmul.f32 v21, v23;
	v2 =	vshll.u32 v22, $0x4  }
.LBB2_6:
0x1fc: {  	p0 =	sne.s32 s15, $0x7FC0;
	v22 =	vcvt.s32.f32 v22;
	v28 =	vmul.f32 v7, v19;
	s11 =	smov.u32 s15;
	s15 =	sadd.s32 $0x40, s15  }
0x1fd: {  	v23 =	vmul.f32 v20, v23;
	v25 =	vmul.f32 v13, v25  }
0x1fe: {  	v18 =	vsub.f32 v18, v22;
	v22 =	vmul.f32 v14, v26;
	v26 =	vld.idx.msk [tilespmem:v16+s1+$0x0], $0xffff  }
0x1ff: {  	v29 =	vmul.f32 v21, v28  }
0x200: {  	v7 =	vsub.f32 $1.000000000e+00, v18;
	v22 =	vadd.f32 v25, v22;
	v25 =	vmul.f32 v15, v27;
	v27 =	vld.idx.msk [tilespmem:v17+s1+$0x0], $0xffff  }
0x201: {  	v19 =	vmul.f32 v4, v19;
	v28 =	vmul.f32 v28, v20;
	v4 =	vmov v18  }
0x202: {  	v18 =	vadd.f32 v22, v25;
	v22 =	vmul.f32 v23, v24;
	v24 =	vld.idx.msk [tilespmem:v10+s1+$0x0], $0xffff  }
0x203: {  	v21 =	vmul.f32 v21, v19  }
0x204: {  	v18 =	vadd.f32 v18, v22;
	v22 =	vmul.f32 v29, v26;
	v25 =	vld.idx.msk [tilespmem:v5+s1+$0x0], $0xffff  }
0x205: {  	v19 =	vmul.f32 v20, v19  }
0x206: {  	v20 =	vmul.f32 v28, v27;
	v18 =	vadd.f32 v18, v22;
	_ =	sdelay $0x1  }
0x207: {  	v18 =	vadd.f32 v18, v20;
	v20 =	vmul.f32 v24, v21;
	_ =	sdelay $0x1  }
0x208: {  	v18 =	vadd.f32 v18, v20;
	v20 =	vmul.f32 v25, v19;
	_ =	sdelay $0x1  }
0x209: {  	v18 =	vadd.f32 v18, v20;
	_ =	sdelay $0x1  }
0x20a: {  	[tilespmem:s10+$0xF000] =	vst v18  }
0x20b: {  	v18 =	vld.idx.msk [tilespmem:v6+s0+$0x0], $0xffff  }
0x20c: {  	v20 =	vld.idx.msk [tilespmem:v11+s0+$0x0], $0xffff;
	_ =	sdelay $0x1  }
0x20d: {  	v22 =	vld.idx.msk [tilespmem:v9+s0+$0x0], $0xffff;
	_ =	sdelay $0x1  }
0x20e: {  	v24 =	vld.idx.msk [tilespmem:v8+s0+$0x0], $0xffff  }
0x20f: {  	v18 =	vmul.f32 v18, v13  }
0x210: {  	v20 =	vmul.f32 v20, v14;
	v25 =	vld.idx.msk [tilespmem:v16+s0+$0x0], $0xffff;
	_ =	sdelay $0x1  }
0x211: {  	v18 =	vadd.f32 v18, v20;
	v20 =	vmul.f32 v22, v15;
	v22 =	vld.idx.msk [tilespmem:v17+s0+$0x0], $0xffff;
	_ =	sdelay $0x1  }
0x212: {  	v18 =	vadd.f32 v20, v18;
	v20 =	vmul.f32 v24, v23;
	v24 =	vld.idx.msk [tilespmem:v10+s0+$0x0], $0xffff;
	_ =	sdelay $0x1  }
0x213: {  	v18 =	vadd.f32 v20, v18;
	v20 =	vmul.f32 v25, v29;
	v25 =	vld.idx.msk [tilespmem:v5+s0+$0x0], $0xffff;
	_ =	sdelay $0x1  }
0x214: {  	v18 =	vadd.f32 v20, v18;
	v20 =	vmul.f32 v22, v28;
	_ =	sdelay $0x1  }
0x215: {  	v18 =	vadd.f32 v20, v18;
	v20 =	vmul.f32 v24, v21;
	_ =	sdelay $0x1  }
0x216: {  	v18 =	vadd.f32 v20, v18;
	v20 =	vmul.f32 v25, v19;
	_ =	sdelay $0x1  }
0x217: {  	v18 =	vadd.f32 v20, v18;
	_ =	sdelay $0x1  }
0x218: {  	[tilespmem:s10+$0x11000] =	vst v18  }
0x219: {  	v11 =	vld.idx.msk [tilespmem:v11+s2+$0x0], $0xffff  }
0x21a: {  	v6 =	vld.idx.msk [tilespmem:v6+s2+$0x0], $0xffff  }
0x21b: {  	v9 =	vld.idx.msk [tilespmem:v9+s2+$0x0], $0xffff  }
0x21c: {  	v8 =	vld.idx.msk [tilespmem:v8+s2+$0x0], $0xffff  }
0x21d: {  	v16 =	vld.idx.msk [tilespmem:v16+s2+$0x0], $0xffff  }
0x21e: {  	v17 =	vld.idx.msk [tilespmem:v17+s2+$0x0], $0xffff  }
0x21f: {  	v11 =	vmul.f32 v11, v14;
	v10 =	vld.idx.msk [tilespmem:v10+s2+$0x0], $0xffff  }
0x220: {  	v6 =	vmul.f32 v6, v13;
	v5 =	vld.idx.msk [tilespmem:v5+s2+$0x0], $0xffff  }
0x221: {  	v9 =	vmul.f32 v9, v15  }
0x222: {  	v6 =	vadd.f32 v6, v11;
	v8 =	vmul.f32 v8, v23  }
0x223: {  	v11 =	vmul.f32 v16, v29  }
0x224: {  	v6 =	vadd.f32 v9, v6;
	v9 =	vmul.f32 v17, v28  }
0x225: {  	v12 =	vcvt.f32.s32 v12;
	v10 =	vmul.f32 v10, v21  }
0x226: {  	v6 =	vadd.f32 v8, v6;
	v13 =	vmul.f32 v5, v19  }
0x227: {  	v5 =	vcvt.s32.f32 v12;
	v8 =	vshll.u32 v12, $0x8  }
0x228: {  	s11 =	sshra.s32 s11, $0x2;
	v12 =	vadd.s32 $0x100, v8;
	v14 =	vadd.s32 v8, v2;
	v11 =	vadd.f32 v11, v6  }
0x229: {  	v17 =	vadd.s32 $0x1, v1;
	v19 =	vsub.f32 v3, v5;
	v3 =	vcvt.s32.f32 v1;
	v15 =	vld [tilespmem:s11+$0x7000]  }
0x22a: {  	v5 =	vadd.s32 $0x10, v2;
	v6 =	vadd.s32 v17, v14;
	v18 =	vadd.f32 v9, v11;
	v16 =	vld [tilespmem:s11+$0x5000]  }
0x22b: {  	v8 =	vadd.s32 v8, v5;
	v21 =	vadd.s32 v12, v5;
	v11 =	vadd.s32 v1, v14;
	v22 =	vld [tilespmem:s11+$0x3000]  }
0x22c: {  	v9 =	vadd.s32 v1, v8;
	v8 =	vadd.s32 v17, v8;
	v14 =	vadd.f32 v10, v18  }
0x22d: {  	v20 =	vsub.f32 v0, v3;
	v5 =	vadd.s32 v17, v21;
	v3 =	vsub.f32 $1.000000000e+00, v19  }
0x22e: {  	v10 =	vadd.s32 v1, v21;
	v13 =	vadd.f32 v13, v14;
	v0 =	vmul.f32 $1.500000000e+01, v15  }
0x22f: {  	v21 =	vsub.f32 $1.000000000e+00, v20;
	v23 =	vmul.f32 v4, v3;
	v14 =	vmul.f32 v7, v3  }
0x230: {  	v18 =	vmul.f32 $1.500000000e+01, v16;
	v3 =	vmul.f32 $1.500000000e+01, v22;
	[tilespmem:s10+$0x13000] =	vst v13;
	s10 =	smov.u32 s14;
	s14 =	smov.u32 s11  }
.Ltmp2:
0x231: {  	v15 =	vtrunc.f32 v0;
	v13 =	vmul.f32 v14, v20;
	v25 =	vld.idx.msk [tilespmem:v6+s1+$0x0], $0xffff;
	(pc) =	sbr.rel @p0 .LBB2_6-.Ltmp2, $4  }
0x232: {  	v28 =	vadd.s32 v2, v12;
	v14 =	vmul.f32 v21, v14;
	v16 =	vtrunc.f32 v18;
	v26 =	vld.idx.msk [tilespmem:v11+s1+$0x0], $0xffff  }
0x233: {  	v12 =	vtrunc.f32 v3;
	v22 =	vcvt.f32.s32 v16;
	v16 =	vadd.s32 v1, v28;
	v24 =	vld.idx.msk [tilespmem:v8+s1+$0x0], $0xffff  }
0x234: {  	v1 =	vcvt.f32.s32 v15;
	v15 =	vmul.f32 v21, v23;
	v27 =	vld.idx.msk [tilespmem:v9+s1+$0x0], $0xffff  }
0x235: {  	v17 =	vadd.s32 v17, v28;
	v2 =	vshll.u32 v22, $0x4  }
0x236: {  	_ =	sdelay $0x2  }
0x237: {  	v25 =	vmul.f32 v13, v25;
	v26 =	vmul.f32 v14, v26  }
0x238: {  	v7 =	vmul.f32 v7, v19;
	v28 =	vld.idx.msk [tilespmem:v16+s1+$0x0], $0xffff  }
0x239: {  	v23 =	vmul.f32 v20, v23;
	v25 =	vadd.f32 v25, v26;
	v26 =	vmul.f32 v15, v27  }
0x23a: {  	v27 =	vld.idx.msk [tilespmem:v17+s1+$0x0], $0xffff  }
0x23b: {  	v29 =	vmul.f32 v21, v7;
	v24 =	vmul.f32 v23, v24;
	v25 =	vadd.f32 v25, v26  }
0x23c: {  	v4 =	vmul.f32 v4, v19;
	v19 =	vld.idx.msk [tilespmem:v10+s1+$0x0], $0xffff  }
0x23d: {  	v7 =	vmul.f32 v7, v20;
	v24 =	vadd.f32 v25, v24;
	v25 =	vmul.f32 v29, v28  }
0x23e: {  	v26 =	vld.idx.msk [tilespmem:v5+s1+$0x0], $0xffff  }
0x23f: {  	v21 =	vmul.f32 v21, v4;
	v24 =	vadd.f32 v24, v25;
	v25 =	vmul.f32 v7, v27;
	_ =	sdelay $0x1  }
0x240: {  	v4 =	vmul.f32 v20, v4;
	v19 =	vmul.f32 v19, v21;
	v20 =	vadd.f32 v24, v25;
	_ =	sdelay $0x1  }
0x241: {  	v19 =	vadd.f32 v20, v19;
	v20 =	vmul.f32 v26, v4;
	_ =	sdelay $0x1  }
0x242: {  	v19 =	vadd.f32 v19, v20;
	_ =	sdelay $0x1  }
0x243: {  	[tilespmem:s10+$0xF000] =	vst v19  }
0x244: {  	v19 =	vld.idx.msk [tilespmem:v6+s0+$0x0], $0xffff  }
0x245: {  	v20 =	vld.idx.msk [tilespmem:v11+s0+$0x0], $0xffff;
	_ =	sdelay $0x1  }
0x246: {  	v24 =	vld.idx.msk [tilespmem:v9+s0+$0x0], $0xffff;
	_ =	sdelay $0x1  }
0x247: {  	v25 =	vld.idx.msk [tilespmem:v8+s0+$0x0], $0xffff  }
0x248: {  	v19 =	vmul.f32 v19, v13;
	v20 =	vmul.f32 v20, v14  }
0x249: {  	v26 =	vld.idx.msk [tilespmem:v16+s0+$0x0], $0xffff  }
0x24a: {  	v19 =	vadd.f32 v19, v20;
	v20 =	vmul.f32 v24, v15  }
0x24b: {  	v24 =	vld.idx.msk [tilespmem:v17+s0+$0x0], $0xffff  }
0x24c: {  	v19 =	vadd.f32 v20, v19;
	v20 =	vmul.f32 v25, v23  }
0x24d: {  	v25 =	vld.idx.msk [tilespmem:v10+s0+$0x0], $0xffff  }
0x24e: {  	v19 =	vadd.f32 v20, v19;
	v20 =	vmul.f32 v26, v29  }
0x24f: {  	v26 =	vld.idx.msk [tilespmem:v5+s0+$0x0], $0xffff  }
0x250: {  	v19 =	vadd.f32 v20, v19;
	v20 =	vmul.f32 v24, v7;
	_ =	sdelay $0x1  }
0x251: {  	v19 =	vadd.f32 v20, v19;
	v20 =	vmul.f32 v25, v21;
	_ =	sdelay $0x1  }
0x252: {  	v19 =	vadd.f32 v20, v19;
	v20 =	vmul.f32 v26, v4;
	_ =	sdelay $0x1  }
0x253: {  	v19 =	vadd.f32 v20, v19;
	_ =	sdelay $0x1  }
0x254: {  	[tilespmem:s10+$0x11000] =	vst v19  }
0x255: {  	v11 =	vld.idx.msk [tilespmem:v11+s2+$0x0], $0xffff  }
0x256: {  	v6 =	vld.idx.msk [tilespmem:v6+s2+$0x0], $0xffff;
	_ =	sdelay $0x1  }
0x257: {  	v9 =	vld.idx.msk [tilespmem:v9+s2+$0x0], $0xffff;
	_ =	sdelay $0x1  }
0x258: {  	v8 =	vld.idx.msk [tilespmem:v8+s2+$0x0], $0xffff  }
0x259: {  	v11 =	vmul.f32 v11, v14;
	v6 =	vmul.f32 v6, v13  }
0x25a: {  	v13 =	vld.idx.msk [tilespmem:v16+s2+$0x0], $0xffff  }
0x25b: {  	v9 =	vmul.f32 v9, v15;
	v6 =	vadd.f32 v6, v11  }
0x25c: {  	v11 =	vld.idx.msk [tilespmem:v17+s2+$0x0], $0xffff  }
0x25d: {  	v8 =	vmul.f32 v8, v23;
	v6 =	vadd.f32 v9, v6  }
0x25e: {  	v9 =	vld.idx.msk [tilespmem:v10+s2+$0x0], $0xffff  }
0x25f: {  	v5 =	vld.idx.msk [tilespmem:v5+s2+$0x0], $0xffff;
	v10 =	vmul.f32 v13, v29;
	v6 =	vadd.f32 v8, v6;
	_ =	sdelay $0x1  }
0x260: {  	v8 =	vcvt.f32.s32 v12;
	v7 =	vmul.f32 v11, v7;
	v6 =	vadd.f32 v10, v6;
	_ =	sdelay $0x1  }
0x261: {  	v10 =	vshll.u32 v8, $0x8;
	v9 =	vmul.f32 v9, v21;
	v6 =	vadd.f32 v7, v6  }
0x262: {  	v4 =	vmul.f32 v5, v4;
	v12 =	vadd.s32 $0x1, v1;
	v11 =	vadd.s32 v10, v2  }
0x263: {  	v7 =	vcvt.s32.f32 v22;
	v5 =	vadd.s32 v12, v11;
	v6 =	vadd.f32 v9, v6  }
0x264: {  	v8 =	vcvt.s32.f32 v8;
	v11 =	vadd.s32 v1, v11;
	v9 =	vadd.s32 $0x10, v2  }
0x265: {  	v7 =	vsub.f32 v18, v7;
	v13 =	vadd.s32 v10, v9;
	v4 =	vadd.f32 v4, v6  }
0x266: {  	v3 =	vsub.f32 v3, v8;
	v6 =	vcvt.s32.f32 v1;
	v8 =	vadd.s32 v1, v13  }
0x267: {  	v10 =	vadd.s32 $0x100, v10;
	v14 =	vsub.f32 $1.000000000e+00, v7;
	[tilespmem:s10+$0x13000] =	vst v4  }
0x268: {  	v4 =	vadd.s32 v12, v13;
	v0 =	vsub.f32 v0, v6;
	v6 =	vsub.f32 $1.000000000e+00, v3;
	v13 =	vld.idx.msk [tilespmem:v5+s1+$0x0], $0xffff  }
0x269: {  	v2 =	vadd.s32 v2, v10;
	v15 =	vld.idx.msk [tilespmem:v11+s1+$0x0], $0xffff  }
0x26a: {  	v18 =	vadd.s32 v1, v2;
	v16 =	vsub.f32 $1.000000000e+00, v0;
	v17 =	vmul.f32 v14, v6  }
0x26b: {  	v6 =	vmul.f32 v7, v6;
	v19 =	vld.idx.msk [tilespmem:v8+s1+$0x0], $0xffff  }
0x26c: {  	v2 =	vadd.s32 v12, v2;
	v20 =	vmul.f32 v17, v0;
	v17 =	vmul.f32 v16, v17  }
0x26d: {  	v9 =	vadd.s32 v10, v9;
	v21 =	vmul.f32 v16, v6;
	v10 =	vld.idx.msk [tilespmem:v4+s1+$0x0], $0xffff  }
0x26e: {  	v1 =	vadd.s32 v1, v9;
	v13 =	vmul.f32 v20, v13;
	v15 =	vmul.f32 v17, v15  }
0x26f: {  	v9 =	vadd.s32 v12, v9;
	v12 =	vmul.f32 v14, v3;
	v14 =	vld.idx.msk [tilespmem:v18+s1+$0x0], $0xffff  }
0x270: {  	v6 =	vmul.f32 v0, v6;
	v13 =	vadd.f32 v13, v15;
	v15 =	vmul.f32 v21, v19  }
0x271: {  	v19 =	vld.idx.msk [tilespmem:v2+s1+$0x0], $0xffff  }
0x272: {  	v22 =	vmul.f32 v16, v12;
	v13 =	vadd.f32 v13, v15;
	v10 =	vmul.f32 v6, v10  }
0x273: {  	v3 =	vmul.f32 v7, v3;
	v7 =	vld.idx.msk [tilespmem:v1+s1+$0x0], $0xffff  }
0x274: {  	v12 =	vmul.f32 v12, v0;
	v10 =	vadd.f32 v13, v10;
	v13 =	vmul.f32 v22, v14  }
0x275: {  	v14 =	vld.idx.msk [tilespmem:v9+s1+$0x0], $0xffff  }
0x276: {  	v15 =	vmul.f32 v16, v3;
	v10 =	vadd.f32 v10, v13;
	v13 =	vmul.f32 v12, v19;
	_ =	sdelay $0x1  }
0x277: {  	v0 =	vmul.f32 v0, v3;
	v7 =	vmul.f32 v7, v15;
	v3 =	vadd.f32 v10, v13;
	_ =	sdelay $0x1  }
0x278: {  	v3 =	vadd.f32 v3, v7;
	v7 =	vmul.f32 v14, v0;
	_ =	sdelay $0x1  }
0x279: {  	v3 =	vadd.f32 v3, v7;
	_ =	sdelay $0x1  }
0x27a: {  	[tilespmem:s14+$0xF000] =	vst v3  }
0x27b: {  	v3 =	vld.idx.msk [tilespmem:v5+s0+$0x0], $0xffff  }
0x27c: {  	v7 =	vld.idx.msk [tilespmem:v11+s0+$0x0], $0xffff;
	_ =	sdelay $0x1  }
0x27d: {  	v10 =	vld.idx.msk [tilespmem:v8+s0+$0x0], $0xffff;
	_ =	sdelay $0x1  }
0x27e: {  	v13 =	vld.idx.msk [tilespmem:v4+s0+$0x0], $0xffff  }
0x27f: {  	v3 =	vmul.f32 v3, v20;
	v7 =	vmul.f32 v7, v17  }
0x280: {  	v14 =	vld.idx.msk [tilespmem:v18+s0+$0x0], $0xffff  }
0x281: {  	v3 =	vadd.f32 v3, v7;
	v7 =	vmul.f32 v10, v21  }
0x282: {  	v10 =	vld.idx.msk [tilespmem:v2+s0+$0x0], $0xffff  }
0x283: {  	v3 =	vadd.f32 v7, v3;
	v7 =	vmul.f32 v13, v6  }
0x284: {  	v13 =	vld.idx.msk [tilespmem:v1+s0+$0x0], $0xffff  }
0x285: {  	v3 =	vadd.f32 v7, v3;
	v7 =	vmul.f32 v14, v22  }
0x286: {  	v14 =	vld.idx.msk [tilespmem:v9+s0+$0x0], $0xffff  }
0x287: {  	v3 =	vadd.f32 v7, v3;
	v7 =	vmul.f32 v10, v12;
	_ =	sdelay $0x1  }
0x288: {  	v3 =	vadd.f32 v7, v3;
	v7 =	vmul.f32 v13, v15;
	_ =	sdelay $0x1  }
0x289: {  	v3 =	vadd.f32 v7, v3;
	v7 =	vmul.f32 v14, v0;
	_ =	sdelay $0x1  }
0x28a: {  	v3 =	vadd.f32 v7, v3;
	_ =	sdelay $0x1  }
0x28b: {  	[tilespmem:s14+$0x11000] =	vst v3  }
0x28c: {  	v3 =	vld.idx.msk [tilespmem:v11+s2+$0x0], $0xffff  }
0x28d: {  	v5 =	vld.idx.msk [tilespmem:v5+s2+$0x0], $0xffff;
	_ =	sdelay $0x1  }
0x28e: {  	v7 =	vld.idx.msk [tilespmem:v8+s2+$0x0], $0xffff;
	_ =	sdelay $0x1  }
0x28f: {  	v4 =	vld.idx.msk [tilespmem:v4+s2+$0x0], $0xffff  }
0x290: {  	v3 =	vmul.f32 v3, v17;
	v5 =	vmul.f32 v5, v20  }
0x291: {  	v8 =	vld.idx.msk [tilespmem:v18+s2+$0x0], $0xffff  }
0x292: {  	v7 =	vmul.f32 v7, v21;
	v3 =	vadd.f32 v5, v3  }
0x293: {  	v2 =	vld.idx.msk [tilespmem:v2+s2+$0x0], $0xffff  }
0x294: {  	v4 =	vmul.f32 v4, v6;
	v3 =	vadd.f32 v7, v3  }
0x295: {  	v1 =	vld.idx.msk [tilespmem:v1+s2+$0x0], $0xffff  }
0x296: {  	v5 =	vmul.f32 v8, v22;
	v3 =	vadd.f32 v4, v3  }
0x297: {  	v4 =	vld.idx.msk [tilespmem:v9+s2+$0x0], $0xffff  }
0x298: {  	v2 =	vmul.f32 v2, v12;
	v3 =	vadd.f32 v5, v3;
	_ =	sdelay $0x1  }
0x299: {  	v1 =	vmul.f32 v1, v15;
	v2 =	vadd.f32 v2, v3;
	_ =	sdelay $0x1  }
0x29a: {  	v0 =	vmul.f32 v4, v0;
	v1 =	vadd.f32 v1, v2;
	_ =	sdelay $0x1  }
0x29b: {  	v0 =	vadd.f32 v0, v1;
	_ =	sdelay $0x1  }
0x29c: {  	s11 =	simm.s32 $0xF000;
	[tilespmem:s14+$0x13000] =	vst v0;
	s14 =	simm.s32 $0x0  }
0x29d: {  	[hbm4b:s21+s14] =	stream.linear.scatter [tilespmem:s11], [sflag:$0x3], $0x2000, $0x38;
	[tilespmem:$0x1B000] =	vst v63  }
0x29e: {  	s15 =	simm.s32 $0x11000  }
0x29f: {  	[hbm4b:s22+s14] =	stream.linear.scatter [tilespmem:s15], [sflag:$0x3], $0x2000, $0x38;
	[tilespmem:$0x1B000] =	vst v63  }
0x2a0: {  	_ = 	snop  }
0x2a1: {  	[hbm4b:s23+s14] =	stream.linear.scatter [tilespmem:s3], [sflag:$0x3], $0x2000, $0x38;
	[tilespmem:$0x1B000] =	vst v63  }
0x2a2: {  	_ =	swait.ge [sflag:s4], $0x2000  }
0x2a3: {  	[sflag:s4] =	ssyncset.done $0x0  }
0x2a4: {  	[sflag:s4] =	ssyncadd.s32 $0xFFFFE000  }
0x2a5: {  	_ =	swait.ge [sflag:s4], $0x2000  }
0x2a6: {  	[sflag:s4] =	ssyncset.done $0x0  }
0x2a7: {  	[sflag:s4] =	ssyncadd.s32 $0xFFFFE000  }
0x2a8: {  	_ =	swait.ge [sflag:s4], $0x2000  }
0x2a9: {  	[sflag:s4] =	ssyncset.done $0x0  }
0x2aa: {  	[sflag:s4] =	ssyncadd.s32 $0xFFFFE000  }
0x2ab: {  	_ =	swait.ge [sflag:s8], $0x2000  }
0x2ac: {  	[sflag:s8] =	ssyncset.done $0x0  }
0x2ad: {  	[sflag:s8] =	ssyncadd.s32 $0xFFFFE000  }
0x2ae: {  	_ =	swait.ge [sflag:s8], $0x2000  }
0x2af: {  	[sflag:s8] =	ssyncset.done $0x0  }
0x2b0: {  	[sflag:s8] =	ssyncadd.s32 $0xFFFFE000  }
0x2b1: {  	_ =	swait.ge [sflag:s8], $0x2000  }
0x2b2: {  	[sflag:s8] =	ssyncset.done $0x0  }
0x2b3: {  	s10 =	simm.s32 $0x0;
	[sflag:s8] =	ssyncadd.s32 $0xFFFFE000  }
0x2b4: {  	v0 =	vld [tilespmem:s10+$0xB000]  }
0x2b5: {  	v1 =	vld [tilespmem:s10+$0x9000]  }
0x2b6: {  	v2 =	vld [tilespmem:s10+$0xD000];
	_ =	sdelay $0x2  }
0x2b7: {  	v0 =	vmul.f32 $1.500000000e+01, v0  }
0x2b8: {  	v1 =	vmul.f32 $1.500000000e+01, v1  }
0x2b9: {  	v2 =	vmul.f32 $1.500000000e+01, v2;
	v3 =	vtrunc.f32 v0  }
0x2ba: {  	v3 =	vcvt.f32.s32 v3  }
0x2bb: {  	v4 =	vtrunc.f32 v1;
	v7 =	vtrunc.f32 v2  }
0x2bc: {  	v6 =	vcvt.f32.s32 v4;
	v5 =	vcvt.s32.f32 v3  }
0x2bd: {  	s14 =	simm.s32 $0x10;
	v15 =	vcvt.f32.s32 v7  }
0x2be: {  	v10 =	vld [tilespmem:s14+$0x9000];
	v12 =	vshll.u32 v3, $0x4;
	v4 =	vsub.f32 v0, v5;
	v0 =	vcvt.s32.f32 v6  }
0x2bf: {  	v3 =	vld [tilespmem:s14+$0xD000];
	v17 =	vadd.s32 $0x1, v15;
	v9 =	vadd.s32 $0x10, v12;
	v5 =	vshll.u32 v6, $0x8  }
0x2c0: {  	v14 =	vadd.s32 $0x100, v5;
	v8 =	vadd.s32 v5, v12;
	v19 =	vsub.f32 v1, v0;
	v1 =	vld [tilespmem:s14+$0xB000]  }
0x2c1: {  	v5 =	vadd.s32 v5, v9;
	v7 =	vsub.f32 $1.000000000e+00, v4;
	v0 =	vcvt.s32.f32 v15  }
0x2c2: {  	v6 =	vadd.s32 v17, v8;
	v13 =	vadd.s32 v14, v9;
	v11 =	vadd.s32 v15, v8  }
0x2c3: {  	v9 =	vadd.s32 v15, v5;
	v8 =	vadd.s32 v17, v5;
	v28 =	vadd.s32 v12, v14  }
0x2c4: {  	v16 =	vsub.f32 $1.000000000e+00, v19;
	v20 =	vsub.f32 v2, v0;
	v0 =	vmul.f32 $1.500000000e+01, v3  }
0x2c5: {  	v5 =	vadd.s32 v17, v13;
	v3 =	vmul.f32 $1.500000000e+01, v10;
	v18 =	vmul.f32 $1.500000000e+01, v1  }
0x2c6: {  	v17 =	vadd.s32 v17, v28;
	v2 =	vmul.f32 v7, v16;
	v23 =	vmul.f32 v4, v16  }
0x2c7: {  	v21 =	vsub.f32 $1.000000000e+00, v20;
	v12 =	vtrunc.f32 v3;
	v25 =	vld.idx.msk [tilespmem:v6+s1+$0x0], $0xffff;
	v16 =	vtrunc.f32 v18  }
0x2c8: {  	v1 =	vtrunc.f32 v0;
	v26 =	vld.idx.msk [tilespmem:v11+s1+$0x0], $0xffff;
	v22 =	vcvt.f32.s32 v16;
	v16 =	vadd.s32 v15, v28  }
0x2c9: {  	v10 =	vadd.s32 v15, v13;
	v24 =	vld.idx.msk [tilespmem:v8+s1+$0x0], $0xffff;
	v13 =	vmul.f32 v2, v20;
	v14 =	vmul.f32 v21, v2  }
0x2ca: {  	s15 =	simm.s32 $0x80;
	v27 =	vld.idx.msk [tilespmem:v9+s1+$0x0], $0xffff;
	v1 =	vcvt.f32.s32 v1;
	v15 =	vmul.f32 v21, v23;
	v2 =	vshll.u32 v22, $0x4  }
.LBB2_8:
0x2cb: {  	p0 =	sne.s32 s15, $0x7FC0;
	v22 =	vcvt.s32.f32 v22;
	v28 =	vmul.f32 v7, v19;
	s11 =	smov.u32 s15;
	s15 =	sadd.s32 $0x40, s15  }
0x2cc: {  	v23 =	vmul.f32 v20, v23;
	v25 =	vmul.f32 v13, v25  }
0x2cd: {  	v18 =	vsub.f32 v18, v22;
	v22 =	vmul.f32 v14, v26;
	v26 =	vld.idx.msk [tilespmem:v16+s1+$0x0], $0xffff  }
0x2ce: {  	v29 =	vmul.f32 v21, v28  }
0x2cf: {  	v7 =	vsub.f32 $1.000000000e+00, v18;
	v22 =	vadd.f32 v25, v22;
	v25 =	vmul.f32 v15, v27;
	v27 =	vld.idx.msk [tilespmem:v17+s1+$0x0], $0xffff  }
0x2d0: {  	v19 =	vmul.f32 v4, v19;
	v28 =	vmul.f32 v28, v20;
	v4 =	vmov v18  }
0x2d1: {  	v18 =	vadd.f32 v22, v25;
	v22 =	vmul.f32 v23, v24;
	v24 =	vld.idx.msk [tilespmem:v10+s1+$0x0], $0xffff  }
0x2d2: {  	v21 =	vmul.f32 v21, v19  }
0x2d3: {  	v18 =	vadd.f32 v18, v22;
	v22 =	vmul.f32 v29, v26;
	v25 =	vld.idx.msk [tilespmem:v5+s1+$0x0], $0xffff  }
0x2d4: {  	v19 =	vmul.f32 v20, v19  }
0x2d5: {  	v20 =	vmul.f32 v28, v27;
	v18 =	vadd.f32 v18, v22;
	_ =	sdelay $0x1  }
0x2d6: {  	v18 =	vadd.f32 v18, v20;
	v20 =	vmul.f32 v24, v21;
	_ =	sdelay $0x1  }
0x2d7: {  	v18 =	vadd.f32 v18, v20;
	v20 =	vmul.f32 v25, v19;
	_ =	sdelay $0x1  }
0x2d8: {  	v18 =	vadd.f32 v18, v20;
	_ =	sdelay $0x1  }
0x2d9: {  	[tilespmem:s10+$0x15000] =	vst v18  }
0x2da: {  	v18 =	vld.idx.msk [tilespmem:v6+s0+$0x0], $0xffff  }
0x2db: {  	v20 =	vld.idx.msk [tilespmem:v11+s0+$0x0], $0xffff;
	_ =	sdelay $0x1  }
0x2dc: {  	v22 =	vld.idx.msk [tilespmem:v9+s0+$0x0], $0xffff;
	_ =	sdelay $0x1  }
0x2dd: {  	v24 =	vld.idx.msk [tilespmem:v8+s0+$0x0], $0xffff  }
0x2de: {  	v18 =	vmul.f32 v18, v13  }
0x2df: {  	v20 =	vmul.f32 v20, v14;
	v25 =	vld.idx.msk [tilespmem:v16+s0+$0x0], $0xffff;
	_ =	sdelay $0x1  }
0x2e0: {  	v18 =	vadd.f32 v18, v20;
	v20 =	vmul.f32 v22, v15;
	v22 =	vld.idx.msk [tilespmem:v17+s0+$0x0], $0xffff;
	_ =	sdelay $0x1  }
0x2e1: {  	v18 =	vadd.f32 v20, v18;
	v20 =	vmul.f32 v24, v23;
	v24 =	vld.idx.msk [tilespmem:v10+s0+$0x0], $0xffff;
	_ =	sdelay $0x1  }
0x2e2: {  	v18 =	vadd.f32 v20, v18;
	v20 =	vmul.f32 v25, v29;
	v25 =	vld.idx.msk [tilespmem:v5+s0+$0x0], $0xffff;
	_ =	sdelay $0x1  }
0x2e3: {  	v18 =	vadd.f32 v20, v18;
	v20 =	vmul.f32 v22, v28;
	_ =	sdelay $0x1  }
0x2e4: {  	v18 =	vadd.f32 v20, v18;
	v20 =	vmul.f32 v24, v21;
	_ =	sdelay $0x1  }
0x2e5: {  	v18 =	vadd.f32 v20, v18;
	v20 =	vmul.f32 v25, v19;
	_ =	sdelay $0x1  }
0x2e6: {  	v18 =	vadd.f32 v20, v18;
	_ =	sdelay $0x1  }
0x2e7: {  	[tilespmem:s10+$0x17000] =	vst v18  }
0x2e8: {  	v11 =	vld.idx.msk [tilespmem:v11+s2+$0x0], $0xffff  }
0x2e9: {  	v6 =	vld.idx.msk [tilespmem:v6+s2+$0x0], $0xffff  }
0x2ea: {  	v9 =	vld.idx.msk [tilespmem:v9+s2+$0x0], $0xffff  }
0x2eb: {  	v8 =	vld.idx.msk [tilespmem:v8+s2+$0x0], $0xffff  }
0x2ec: {  	v16 =	vld.idx.msk [tilespmem:v16+s2+$0x0], $0xffff  }
0x2ed: {  	v17 =	vld.idx.msk [tilespmem:v17+s2+$0x0], $0xffff  }
0x2ee: {  	v11 =	vmul.f32 v11, v14;
	v10 =	vld.idx.msk [tilespmem:v10+s2+$0x0], $0xffff  }
0x2ef: {  	v6 =	vmul.f32 v6, v13;
	v5 =	vld.idx.msk [tilespmem:v5+s2+$0x0], $0xffff  }
0x2f0: {  	v9 =	vmul.f32 v9, v15  }
0x2f1: {  	v6 =	vadd.f32 v6, v11;
	v8 =	vmul.f32 v8, v23  }
0x2f2: {  	v11 =	vmul.f32 v16, v29  }
0x2f3: {  	v6 =	vadd.f32 v9, v6;
	v9 =	vmul.f32 v17, v28  }
0x2f4: {  	v12 =	vcvt.f32.s32 v12;
	v10 =	vmul.f32 v10, v21  }
0x2f5: {  	v6 =	vadd.f32 v8, v6;
	v13 =	vmul.f32 v5, v19  }
0x2f6: {  	v5 =	vcvt.s32.f32 v12;
	v8 =	vshll.u32 v12, $0x8  }
0x2f7: {  	s11 =	sshra.s32 s11, $0x2;
	v12 =	vadd.s32 $0x100, v8;
	v14 =	vadd.s32 v8, v2;
	v11 =	vadd.f32 v11, v6  }
0x2f8: {  	v17 =	vadd.s32 $0x1, v1;
	v19 =	vsub.f32 v3, v5;
	v3 =	vcvt.s32.f32 v1;
	v15 =	vld [tilespmem:s11+$0xD000]  }
0x2f9: {  	v5 =	vadd.s32 $0x10, v2;
	v6 =	vadd.s32 v17, v14;
	v18 =	vadd.f32 v9, v11;
	v16 =	vld [tilespmem:s11+$0xB000]  }
0x2fa: {  	v8 =	vadd.s32 v8, v5;
	v21 =	vadd.s32 v12, v5;
	v11 =	vadd.s32 v1, v14;
	v22 =	vld [tilespmem:s11+$0x9000]  }
0x2fb: {  	v9 =	vadd.s32 v1, v8;
	v8 =	vadd.s32 v17, v8;
	v14 =	vadd.f32 v10, v18  }
0x2fc: {  	v20 =	vsub.f32 v0, v3;
	v5 =	vadd.s32 v17, v21;
	v3 =	vsub.f32 $1.000000000e+00, v19  }
0x2fd: {  	v10 =	vadd.s32 v1, v21;
	v13 =	vadd.f32 v13, v14;
	v0 =	vmul.f32 $1.500000000e+01, v15  }
0x2fe: {  	v21 =	vsub.f32 $1.000000000e+00, v20;
	v23 =	vmul.f32 v4, v3;
	v14 =	vmul.f32 v7, v3  }
0x2ff: {  	v18 =	vmul.f32 $1.500000000e+01, v16;
	v3 =	vmul.f32 $1.500000000e+01, v22;
	[tilespmem:s10+$0x19000] =	vst v13;
	s10 =	smov.u32 s14;
	s14 =	smov.u32 s11  }
.Ltmp3:
0x300: {  	v15 =	vtrunc.f32 v0;
	v13 =	vmul.f32 v14, v20;
	v25 =	vld.idx.msk [tilespmem:v6+s1+$0x0], $0xffff;
	(pc) =	sbr.rel @p0 .LBB2_8-.Ltmp3, $4  }
0x301: {  	v28 =	vadd.s32 v2, v12;
	v14 =	vmul.f32 v21, v14;
	v16 =	vtrunc.f32 v18;
	v26 =	vld.idx.msk [tilespmem:v11+s1+$0x0], $0xffff  }
0x302: {  	v12 =	vtrunc.f32 v3;
	v22 =	vcvt.f32.s32 v16;
	v16 =	vadd.s32 v1, v28;
	v24 =	vld.idx.msk [tilespmem:v8+s1+$0x0], $0xffff  }
0x303: {  	v1 =	vcvt.f32.s32 v15;
	v15 =	vmul.f32 v21, v23;
	v27 =	vld.idx.msk [tilespmem:v9+s1+$0x0], $0xffff  }
0x304: {  	v17 =	vadd.s32 v17, v28;
	v2 =	vshll.u32 v22, $0x4  }
0x305: {  	_ =	sdelay $0x2  }
0x306: {  	v25 =	vmul.f32 v13, v25;
	v26 =	vmul.f32 v14, v26  }
0x307: {  	v7 =	vmul.f32 v7, v19;
	v28 =	vld.idx.msk [tilespmem:v16+s1+$0x0], $0xffff  }
0x308: {  	v23 =	vmul.f32 v20, v23;
	v25 =	vadd.f32 v25, v26;
	v57 =	vmul.f32 v15, v27  }
0x309: {  	v58 =	vld.idx.msk [tilespmem:v17+s1+$0x0], $0xffff  }
0x30a: {  	v29 =	vmul.f32 v21, v7;
	v24 =	vmul.f32 v23, v24;
	v25 =	vadd.f32 v25, v57  }
0x30b: {  	v4 =	vmul.f32 v4, v19;
	v59 =	vld.idx.msk [tilespmem:v10+s1+$0x0], $0xffff  }
0x30c: {  	v7 =	vmul.f32 v7, v20;
	v60 =	vmul.f32 v29, v28;
	v24 =	vadd.f32 v25, v24  }
0x30d: {  	v61 =	vld.idx.msk [tilespmem:v5+s1+$0x0], $0xffff  }
0x30e: {  	v62 =	vmul.f32 v21, v4;
	v63 =	vmul.f32 v7, v58;
	v24 =	vadd.f32 v24, v60;
	_ =	sdelay $0x1  }
0x30f: {  	v4 =	vmul.f32 v20, v4;
	v19 =	vmul.f32 v59, v62;
	v28 =	vadd.f32 v24, v63;
	_ =	sdelay $0x1  }
0x310: {  	v30 =	vmul.f32 v61, v4;
	v19 =	vadd.f32 v28, v19;
	_ =	sdelay $0x1  }
0x311: {  	v19 =	vadd.f32 v19, v30;
	_ =	sdelay $0x1  }
0x312: {  	[tilespmem:s10+$0x15000] =	vst v19  }
0x313: {  	v19 =	vld.idx.msk [tilespmem:v6+s0+$0x0], $0xffff  }
0x314: {  	v31 =	vld.idx.msk [tilespmem:v11+s0+$0x0], $0xffff;
	_ =	sdelay $0x1  }
0x315: {  	v32 =	vld.idx.msk [tilespmem:v9+s0+$0x0], $0xffff;
	_ =	sdelay $0x1  }
0x316: {  	v33 =	vld.idx.msk [tilespmem:v8+s0+$0x0], $0xffff  }
0x317: {  	v19 =	vmul.f32 v19, v13;
	v20 =	vmul.f32 v31, v14  }
0x318: {  	v34 =	vld.idx.msk [tilespmem:v16+s0+$0x0], $0xffff  }
0x319: {  	v35 =	vmul.f32 v32, v15;
	v19 =	vadd.f32 v19, v20  }
0x31a: {  	v36 =	vld.idx.msk [tilespmem:v17+s0+$0x0], $0xffff  }
0x31b: {  	v37 =	vmul.f32 v33, v23;
	v19 =	vadd.f32 v35, v19  }
0x31c: {  	v38 =	vld.idx.msk [tilespmem:v10+s0+$0x0], $0xffff  }
0x31d: {  	v39 =	vmul.f32 v34, v29;
	v19 =	vadd.f32 v37, v19  }
0x31e: {  	v40 =	vld.idx.msk [tilespmem:v5+s0+$0x0], $0xffff  }
0x31f: {  	v41 =	vmul.f32 v36, v7;
	v19 =	vadd.f32 v39, v19;
	_ =	sdelay $0x1  }
0x320: {  	v42 =	vmul.f32 v38, v62;
	v19 =	vadd.f32 v41, v19;
	_ =	sdelay $0x1  }
0x321: {  	v43 =	vmul.f32 v40, v4;
	v19 =	vadd.f32 v42, v19;
	_ =	sdelay $0x1  }
0x322: {  	v19 =	vadd.f32 v43, v19;
	_ =	sdelay $0x1  }
0x323: {  	[tilespmem:s10+$0x17000] =	vst v19  }
0x324: {  	v44 =	vld.idx.msk [tilespmem:v11+s2+$0x0], $0xffff  }
0x325: {  	v45 =	vld.idx.msk [tilespmem:v6+s2+$0x0], $0xffff;
	_ =	sdelay $0x1  }
0x326: {  	v46 =	vld.idx.msk [tilespmem:v9+s2+$0x0], $0xffff;
	_ =	sdelay $0x1  }
0x327: {  	v47 =	vld.idx.msk [tilespmem:v8+s2+$0x0], $0xffff  }
0x328: {  	v11 =	vmul.f32 v44, v14;
	v6 =	vmul.f32 v45, v13  }
0x329: {  	v48 =	vld.idx.msk [tilespmem:v16+s2+$0x0], $0xffff  }
0x32a: {  	v9 =	vmul.f32 v46, v15;
	v6 =	vadd.f32 v6, v11  }
0x32b: {  	v49 =	vld.idx.msk [tilespmem:v17+s2+$0x0], $0xffff  }
0x32c: {  	v8 =	vmul.f32 v47, v23;
	v6 =	vadd.f32 v9, v6  }
0x32d: {  	v50 =	vld.idx.msk [tilespmem:v10+s2+$0x0], $0xffff  }
0x32e: {  	v51 =	vmul.f32 v48, v29;
	v6 =	vadd.f32 v8, v6  }
0x32f: {  	v52 =	vld.idx.msk [tilespmem:v5+s2+$0x0], $0xffff  }
0x330: {  	v53 =	vcvt.f32.s32 v12;
	v7 =	vmul.f32 v49, v7;
	v6 =	vadd.f32 v51, v6;
	_ =	sdelay $0x1  }
0x331: {  	v54 =	vshll.u32 v53, $0x8;
	v9 =	vmul.f32 v50, v62;
	v6 =	vadd.f32 v7, v6  }
0x332: {  	v55 =	vcvt.s32.f32 v22;
	v56 =	vadd.s32 v54, v2;
	v57 =	vadd.s32 $0x1, v1  }
0x333: {  	v5 =	vadd.s32 v57, v56;
	v4 =	vmul.f32 v52, v4;
	v6 =	vadd.f32 v9, v6  }
0x334: {  	v58 =	vadd.s32 $0x10, v2;
	v11 =	vadd.s32 v1, v56;
	v8 =	vcvt.s32.f32 v53  }
0x335: {  	v59 =	vadd.s32 v54, v58;
	v60 =	vcvt.s32.f32 v1;
	v4 =	vadd.f32 v4, v6  }
0x336: {  	v61 =	vadd.s32 v1, v59;
	v3 =	vsub.f32 v3, v8;
	v7 =	vsub.f32 v18, v55  }
0x337: {  	v63 =	vadd.s32 v57, v59;
	v0 =	vsub.f32 v0, v60;
	[tilespmem:s10+$0x19000] =	vst v4  }
0x338: {  	v10 =	vadd.s32 $0x100, v54;
	v24 =	vsub.f32 $1.000000000e+00, v3;
	v62 =	vsub.f32 $1.000000000e+00, v7;
	v25 =	vld.idx.msk [tilespmem:v5+s1+$0x0], $0xffff  }
0x339: {  	v26 =	vadd.s32 v2, v10;
	v27 =	vld.idx.msk [tilespmem:v11+s1+$0x0], $0xffff  }
0x33a: {  	v28 =	vsub.f32 $1.000000000e+00, v0;
	v30 =	vadd.s32 v1, v26;
	v29 =	vmul.f32 v62, v24  }
0x33b: {  	v6 =	vmul.f32 v7, v24;
	v19 =	vld.idx.msk [tilespmem:v61+s1+$0x0], $0xffff  }
0x33c: {  	v2 =	vadd.s32 v57, v26;
	v31 =	vmul.f32 v29, v0;
	v17 =	vmul.f32 v28, v29  }
0x33d: {  	v9 =	vadd.s32 v10, v58;
	v33 =	vmul.f32 v28, v6;
	v32 =	vld.idx.msk [tilespmem:v63+s1+$0x0], $0xffff  }
0x33e: {  	v34 =	vadd.s32 v1, v9;
	v13 =	vmul.f32 v31, v25;
	v15 =	vmul.f32 v17, v27  }
0x33f: {  	v9 =	vadd.s32 v57, v9;
	v35 =	vmul.f32 v62, v3;
	v36 =	vld.idx.msk [tilespmem:v30+s1+$0x0], $0xffff  }
0x340: {  	v6 =	vmul.f32 v0, v6;
	v37 =	vmul.f32 v33, v19;
	v13 =	vadd.f32 v13, v15  }
0x341: {  	v38 =	vld.idx.msk [tilespmem:v2+s1+$0x0], $0xffff  }
0x342: {  	v39 =	vmul.f32 v28, v35;
	v10 =	vmul.f32 v6, v32;
	v13 =	vadd.f32 v13, v37  }
0x343: {  	v3 =	vmul.f32 v7, v3;
	v40 =	vld.idx.msk [tilespmem:v34+s1+$0x0], $0xffff  }
0x344: {  	v12 =	vmul.f32 v35, v0;
	v41 =	vmul.f32 v39, v36;
	v10 =	vadd.f32 v13, v10  }
0x345: {  	v42 =	vld.idx.msk [tilespmem:v9+s1+$0x0], $0xffff  }
0x346: {  	v43 =	vmul.f32 v28, v3;
	v44 =	vmul.f32 v12, v38;
	v10 =	vadd.f32 v10, v41;
	_ =	sdelay $0x1  }
0x347: {  	v0 =	vmul.f32 v0, v3;
	v7 =	vmul.f32 v40, v43;
	v45 =	vadd.f32 v10, v44;
	_ =	sdelay $0x1  }
0x348: {  	v46 =	vmul.f32 v42, v0;
	v3 =	vadd.f32 v45, v7;
	_ =	sdelay $0x1  }
0x349: {  	v3 =	vadd.f32 v3, v46;
	_ =	sdelay $0x1  }
0x34a: {  	[tilespmem:s14+$0x15000] =	vst v3  }
0x34b: {  	v3 =	vld.idx.msk [tilespmem:v5+s0+$0x0], $0xffff  }
0x34c: {  	v47 =	vld.idx.msk [tilespmem:v11+s0+$0x0], $0xffff;
	_ =	sdelay $0x1  }
0x34d: {  	v48 =	vld.idx.msk [tilespmem:v61+s0+$0x0], $0xffff;
	_ =	sdelay $0x1  }
0x34e: {  	v49 =	vld.idx.msk [tilespmem:v63+s0+$0x0], $0xffff  }
0x34f: {  	v3 =	vmul.f32 v3, v31;
	v7 =	vmul.f32 v47, v17  }
0x350: {  	v50 =	vld.idx.msk [tilespmem:v30+s0+$0x0], $0xffff  }
0x351: {  	v51 =	vmul.f32 v48, v33;
	v3 =	vadd.f32 v3, v7  }
0x352: {  	v52 =	vld.idx.msk [tilespmem:v2+s0+$0x0], $0xffff  }
0x353: {  	v53 =	vmul.f32 v49, v6;
	v3 =	vadd.f32 v51, v3  }
0x354: {  	v54 =	vld.idx.msk [tilespmem:v34+s0+$0x0], $0xffff  }
0x355: {  	v55 =	vmul.f32 v50, v39;
	v3 =	vadd.f32 v53, v3  }
0x356: {  	v56 =	vld.idx.msk [tilespmem:v9+s0+$0x0], $0xffff  }
0x357: {  	v57 =	vmul.f32 v52, v12;
	v3 =	vadd.f32 v55, v3;
	_ =	sdelay $0x1  }
0x358: {  	v58 =	vmul.f32 v54, v43;
	v3 =	vadd.f32 v57, v3;
	_ =	sdelay $0x1  }
0x359: {  	v59 =	vmul.f32 v56, v0;
	v3 =	vadd.f32 v58, v3;
	_ =	sdelay $0x1  }
0x35a: {  	v3 =	vadd.f32 v59, v3;
	_ =	sdelay $0x1  }
0x35b: {  	[tilespmem:s14+$0x17000] =	vst v3  }
0x35c: {  	v3 =	vld.idx.msk [tilespmem:v11+s2+$0x0], $0xffff  }
0x35d: {  	v5 =	vld.idx.msk [tilespmem:v5+s2+$0x0], $0xffff;
	_ =	sdelay $0x1  }
0x35e: {  	v60 =	vld.idx.msk [tilespmem:v61+s2+$0x0], $0xffff;
	_ =	sdelay $0x1  }
0x35f: {  	v4 =	vld.idx.msk [tilespmem:v63+s2+$0x0], $0xffff  }
0x360: {  	v3 =	vmul.f32 v3, v17;
	v5 =	vmul.f32 v5, v31  }
0x361: {  	v61 =	vld.idx.msk [tilespmem:v30+s2+$0x0], $0xffff  }
0x362: {  	v7 =	vmul.f32 v60, v33;
	v3 =	vadd.f32 v5, v3  }
0x363: {  	v2 =	vld.idx.msk [tilespmem:v2+s2+$0x0], $0xffff  }
0x364: {  	v4 =	vmul.f32 v4, v6;
	v3 =	vadd.f32 v7, v3  }
0x365: {  	v1 =	vld.idx.msk [tilespmem:v34+s2+$0x0], $0xffff  }
0x366: {  	v62 =	vmul.f32 v61, v39;
	v3 =	vadd.f32 v4, v3  }
0x367: {  	v63 =	vld.idx.msk [tilespmem:v9+s2+$0x0], $0xffff  }
0x368: {  	v2 =	vmul.f32 v2, v12;
	v3 =	vadd.f32 v62, v3;
	_ =	sdelay $0x1  }
0x369: {  	v1 =	vmul.f32 v1, v43;
	v2 =	vadd.f32 v2, v3;
	_ =	sdelay $0x1  }
0x36a: {  	v0 =	vmul.f32 v63, v0;
	v1 =	vadd.f32 v1, v2;
	_ =	sdelay $0x1  }
0x36b: {  	v0 =	vadd.f32 v0, v1;
	_ =	sdelay $0x1  }
0x36c: {  	[tilespmem:s14+$0x19000] =	vst v0  }
0x36d: {  	[hbm4b:s24+s1] =	stream.linear.scatter [tilespmem:s5], [sflag:$0x4], $0x2000, $0x38;
	[tilespmem:$0x1B000] =	vst v63  }
0x36e: {  	_ = 	snop  }
0x36f: {  	[hbm4b:s25+s1] =	stream.linear.scatter [tilespmem:s6], [sflag:$0x4], $0x2000, $0x38;
	[tilespmem:$0x1B000] =	vst v63  }
0x370: {  	_ = 	snop  }
0x371: {  	[hbm4b:s26+s1] =	stream.linear.scatter [tilespmem:s12], [sflag:$0x4], $0x2000, $0x38;
	[tilespmem:$0x1B000] =	vst v63  }
0x372: {  	_ =	swait.ge [sflag:s7], $0x2000  }
0x373: {  	[sflag:s7] =	ssyncset.done $0x0  }
0x374: {  	[sflag:s7] =	ssyncadd.s32 $0xFFFFE000  }
0x375: {  	_ =	swait.ge [sflag:s7], $0x2000  }
0x376: {  	[sflag:s7] =	ssyncset.done $0x0  }
0x377: {  	[sflag:s7] =	ssyncadd.s32 $0xFFFFE000  }
0x378: {  	_ =	swait.ge [sflag:s7], $0x2000  }
0x379: {  	[sflag:s7] =	ssyncset.done $0x0  }
0x37a: {  	[sflag:s7] =	ssyncadd.s32 $0xFFFFE000  }
0x37b: {  	_ =	swait.ge [sflag:s8], $0x2000  }
0x37c: {  	[sflag:s8] =	ssyncset.done $0x0  }
0x37d: {  	s13 =	sadd.s32 $0x1, s13;
	[sflag:s8] =	ssyncadd.s32 $0xFFFFE000  }
0x37e: {  	p0 =	sne.s32 s13, s31;
	_ =	swait.ge [sflag:s8], $0x2000  }
.Ltmp4:
0x37f: {  	[sflag:s8] =	ssyncset.done $0x0;
	(pc) =	sbr.rel @p0 .LBB2_1-.Ltmp4, $4  }
0x380: {  	[sflag:s8] =	ssyncadd.s32 $0xFFFFE000  }
0x381: {  	_ =	swait.ge [sflag:s8], $0x2000  }
0x382: {  	[sflag:s8] =	ssyncset.done $0x0  }
0x383: {  	[sflag:s8] =	ssyncadd.s32 $0xFFFFE000  }
0x384: {  	_ =	sfence.sel $0x180000  }
0x385: {  	[bflag:$0x0] =	sbarrier.arrive $0xFFFF  }
0x386: {  	_ =	strace $0x90000047  }
0x387: {  	s0 =	stileid.u32;
	[bflag:$0x2] =	sbarrier.arrive $0xFFFF  }
0x388: {  	p0 =	sne.s32 s0, $0x0;
	s0 =	rddreg [dreg:$0x2]  }
0x389: {  	s0 =	sadd.s32 @!p0 $0x100000, s0  }
0x38a: {  	[sflag:s0] =	ssyncadd.tile.s32 @!p0 $0x1;
	_ =	shalt  }
.Lfunc_end2:
_tile_overlayer_lowered:
.L_overlay_start_2:
0x38b: {  	(tag) =	ssettag $0x2  }
0x38c: {  	s0 =	rddreg [dreg:$0x0];
	s2 =	stileid.u32  }
0x38d: {  	s1 =	rddreg [dreg:$0x1];
	p0 =	sne.s32 s2, $0x0  }
0x38e: {  	s3 =	rddreg [dreg:$0x2];
	[bflag:$0x3] =	sbarrier.arrive $0xFFFF;
	s2 =	simm.s32 @!p0 $0x1C05  }
0x38f: {  	[timem:s3], [sflag:s2] =	dma.local @!p0 [hbm:s0], s1  }
0x390: {  	s0 =	simm.s32 @!p0 $0x5  }
0x391: {  	_ =	swait.ge @!p0 [sflag:s0], s1  }
0x392: {  	s1 =	ssub.s32 @!p0 $0x0, s1;
	[sflag:s0] =	ssyncset.done @!p0 $0x0  }
0x393: {  	[sflag:s0] =	ssyncadd.s32 @!p0 s1  }
0x394: {  	[bflag:$0x3] =	sbarrier.arrive $0xFFFF  }
0x395: {  	_ =	shalt  }

</sc_bundles>
